<compile_context>
chip_gen: v7x
topology: tpu7x:2x2x1
jax: 0.10.2.dev20260603
libtpu: 0.0.44.dev20260713+nightly
codegen_flags: <defaults>
</compile_context>

<pallas_src>
import functools

import jax
import jax.numpy as jnp
from jax import lax
from jax.experimental import pallas as pl
from jax.experimental.pallas import tpu as pltpu
from jax.experimental.pallas import tpu_sc as plsc

B, S, H = 2, 2048, 1024
NH, NKV, HD = 16, 4, 64
I, E, K = 512, 8, 2
GRP = NH // NKV
EPS = 1e-6
T = B * S

BLK_T = 512
BLK_Q = 512
BLK_K = 512
QROWS = GRP * BLK_Q
NEG = -1e30

CAP = T
NBLK = 2 * T // BLK_T + E - 1
NW = 32
TPW = T // NW
HCH = TPW // 2


def _rms(x, w):
    var = jnp.mean(x * x, axis=-1, keepdims=True)
    return x * jax.lax.rsqrt(var + EPS) * w



def _rope(x, cos, sin):
    x1 = x[:, :HD // 2]
    x2 = x[:, HD // 2:]
    rot = jnp.concatenate([-x2, x1], axis=-1)
    return x * cos + rot * sin


def _pre_kernel(hs_ref, ln1_ref, wq_ref, wk_ref, wv_ref, q_ref, k_ref, v_ref):
    x = hs_ref[...]
    xn = _rms(x, ln1_ref[...]).astype(jnp.bfloat16)
    q = jax.lax.dot(xn, wq_ref[...],
                    preferred_element_type=jnp.float32).astype(jnp.bfloat16)
    k = jax.lax.dot(xn, wk_ref[...],
                    preferred_element_type=jnp.float32).astype(jnp.bfloat16)
    v = jax.lax.dot(xn, wv_ref[...],
                    preferred_element_type=jnp.float32).astype(jnp.bfloat16)
    for h in range(NH):
        q_ref[h] = q[:, h * HD:(h + 1) * HD]
    for h in range(NKV):
        k_ref[h] = k[:, h * HD:(h + 1) * HD]
        v_ref[h] = v[:, h * HD:(h + 1) * HD]



def _flash_kernel(iq_ref, ik_ref, q_ref, k_ref, v_ref, cq_ref, sq_ref,
                  ck_ref, sk_ref, mask_ref, o_ref, acc_ref, m_ref, l_ref):
    p_id = pl.program_id(2)
    iq = iq_ref[p_id]
    ik = ik_ref[p_id]

    @pl.when(ik == 0)
    def _():
        m_ref[...] = jnp.full_like(m_ref, NEG)
        l_ref[...] = jnp.zeros_like(l_ref)
        acc_ref[...] = jnp.zeros_like(acc_ref)

    q = _rope(q_ref[...].reshape(QROWS, HD).astype(jnp.float32),
              cq_ref[0], sq_ref[0])
    k = _rope(k_ref[0].astype(jnp.float32), ck_ref[...], sk_ref[...])
    qb = (q * (HD ** -0.5)).astype(jnp.bfloat16)
    kb = k.astype(jnp.bfloat16)
    s = jax.lax.dot_general(qb, kb, (((1,), (1,)), ((), ())),
                            preferred_element_type=jnp.float32)
    ind = (ik == iq).astype(jnp.float32)
    s = s + mask_ref[...] * ind

    m_prev = m_ref[...]
    l_prev = l_ref[...]
    m_cur = jnp.max(s, axis=1, keepdims=True)
    m_next = jnp.maximum(m_prev, m_cur)
    alpha = jnp.exp(m_prev - m_next)
    p = jnp.exp(s - m_next[:, :1])
    l_ref[...] = alpha * l_prev + jnp.sum(p, axis=1, keepdims=True)
    m_ref[...] = m_next
    pv = jax.lax.dot(p.astype(jnp.bfloat16), v_ref[0],
                     preferred_element_type=jnp.float32)
    acc_ref[...] = acc_ref[...] * alpha[:, :1] + pv

    @pl.when(ik == iq)
    def _():
        out = acc_ref[...] / l_ref[:, :1]
        o_ref[...] = out.reshape(GRP, BLK_Q, HD)



def _post_kernel(attn_ref, hs_ref, ln2_ref, wo_ref, rw_ref,
                 res2_ref, xn2_ref, wv_ref, pidx_ref, desc_ref, cnt_ref):
    i = pl.program_id(0)

    @pl.when(i == 0)
    def _():
        cnt_ref[...] = jnp.zeros_like(cnt_ref)

    a = jnp.concatenate([attn_ref[h] for h in range(NH)], axis=1)
    o = jax.lax.dot(a.astype(jnp.bfloat16), wo_ref[...],
                    preferred_element_type=jnp.float32)
    res2 = hs_ref[...] + o
    res2_ref[...] = res2
    xn = _rms(res2, ln2_ref[...])
    xnb = xn.astype(jnp.bfloat16)
    xq = xnb.astype(jnp.float32)
    for j in range(H // 128):
        xn2_ref[:, j, :] = xq[:, j * 128:(j + 1) * 128]
    logits = jax.lax.dot(xnb, rw_ref[...], preferred_element_type=jnp.float32)
    lane = jax.lax.broadcasted_iota(jnp.int32, (BLK_T, 128), 1)
    valid = lane < E
    lg = jnp.where(valid, logits, NEG)
    mx = jnp.max(lg, axis=1, keepdims=True)
    ex = jnp.where(valid, jnp.exp(lg - mx), 0.0)
    denom = jnp.sum(ex, axis=1, keepdims=True)
    sc = ex / denom
    m1 = jnp.max(sc, axis=1, keepdims=True)
    idx1 = jnp.min(jnp.where(sc == m1, lane, 128), axis=1, keepdims=True)
    is1 = lane == idx1
    sc2 = jnp.where(is1, -1.0, sc)
    m2 = jnp.max(sc2, axis=1, keepdims=True)
    idx2 = jnp.min(jnp.where(sc2 == m2, lane, 128), axis=1, keepdims=True)
    is2 = lane == idx2
    wsum = m1 + m2
    wv_ref[...] = jnp.where(lane == 0, m1 / wsum,
                            jnp.where(lane == 1, m2 / wsum, 0.0))

    sel = (is1 | is2).astype(jnp.float32)
    rt = jax.lax.broadcasted_iota(jnp.int32, (BLK_T, BLK_T), 0)
    ct = jax.lax.broadcasted_iota(jnp.int32, (BLK_T, BLK_T), 1)
    tril = (ct < rt).astype(jnp.float32)
    prefix = jax.lax.dot(tril, sel, preferred_element_type=jnp.float32)
    dest = lane.astype(jnp.float32) * CAP + cnt_ref[...] + prefix
    p1f = jnp.sum(dest * is1.astype(jnp.float32), axis=1, keepdims=True)
    p2f = jnp.sum(dest * is2.astype(jnp.float32), axis=1, keepdims=True)
    pidx_ref[...] = jnp.where(lane == 0, p1f,
                              jnp.where(lane == 1, p2f, 0.0)).astype(jnp.int32)
    cnt_new = cnt_ref[...] + jnp.sum(sel, axis=0, keepdims=True)
    cnt_ref[...] = cnt_new

    @pl.when(i == T // BLK_T - 1)
    def _():
        rc = jax.lax.broadcasted_iota(jnp.int32, (128, 128), 0)
        cc = jax.lax.broadcasted_iota(jnp.int32, (128, 128), 1)
        amap = ((cc == rc // 8) & (rc < 64)).astype(jnp.float32)
        cntc = jax.lax.dot_general(amap, cnt_new, (((1,), (1,)), ((), ())),
                                   preferred_element_type=jnp.float32)
        ccol = jax.lax.broadcasted_iota(jnp.int32, (128, 1), 0)
        jcol = ccol % 8
        act = ((jcol.astype(jnp.float32) * BLK_T) < cntc) & (ccol < 64)
        actf = act.astype(jnp.float32)
        tri = (cc < rc).astype(jnp.float32)
        rank = jax.lax.dot(tri, actf, preferred_element_type=jnp.float32)
        srow = cc.astype(jnp.float32)
        smat = ((rank == srow) & act).astype(jnp.float32)
        ecolf = (ccol // 8).astype(jnp.float32)
        gcolf = ccol.astype(jnp.float32)
        blk_e = jax.lax.dot_general(ecolf, smat, (((0,), (0,)), ((), ())),
                                    preferred_element_type=jnp.float32)
        blk_g = jax.lax.dot_general(gcolf, smat, (((0,), (0,)), ((), ())),
                                    preferred_element_type=jnp.float32)
        zero6 = jnp.zeros((6, 128), jnp.float32)
        desc_ref[...] = jnp.concatenate([blk_e, blk_g, zero6],
                                        axis=0).astype(jnp.int32)



def _sc_mesh():
    return plsc.VectorSubcoreMesh(core_axis_name="c", subcore_axis_name="s")


def _sc_dispatch(xn2_3d, p1, p2):
    @functools.partial(
        pl.kernel,
        mesh=_sc_mesh(),
        out_type=jax.ShapeDtypeStruct((E * CAP, 8, 128), jnp.float32),
        scratch_types=[
            pltpu.VMEM((HCH,), jnp.int32),
            pltpu.VMEM((HCH,), jnp.int32),
            pltpu.VMEM((HCH, 8, 128), jnp.float32),
            pltpu.SemaphoreType.DMA,
            pltpu.SemaphoreType.DMA,
        ],
        compiler_params=pltpu.CompilerParams(use_tc_tiling_on_sc=True),
    )
    def k(xn2_hbm, p1_hbm, p2_hbm, xg_hbm, i1_v, i2_v, rows_v, sem1, sem2):
        wid = lax.axis_index("s") * 2 + lax.axis_index("c")
        base = wid * TPW
        for half in range(2):
            b2 = base + half * HCH
            pltpu.sync_copy(p1_hbm.at[pl.ds(b2, HCH)], i1_v)
            pltpu.sync_copy(p2_hbm.at[pl.ds(b2, HCH)], i2_v)
            pltpu.sync_copy(xn2_hbm.at[pl.ds(b2, HCH)], rows_v)
            c1 = pltpu.async_copy(rows_v, xg_hbm.at[i1_v], sem1)
            c2 = pltpu.async_copy(rows_v, xg_hbm.at[i2_v], sem2)
            c1.wait()
            c2.wait()

    return k(xn2_3d, p1, p2)


def _sc_collect(os_3d, p1, p2):
    @functools.partial(
        pl.kernel,
        mesh=_sc_mesh(),
        out_type=[
            jax.ShapeDtypeStruct((T, 8, 128), jnp.float32),
            jax.ShapeDtypeStruct((T, 8, 128), jnp.float32),
        ],
        scratch_types=[
            pltpu.VMEM((HCH,), jnp.int32),
            pltpu.VMEM((HCH, 8, 128), jnp.float32),
            pltpu.SemaphoreType.DMA,
        ],
        compiler_params=pltpu.CompilerParams(use_tc_tiling_on_sc=True),
    )
    def k(os_hbm, p1_hbm, p2_hbm, g1_hbm, g2_hbm, idx_v, rows_v, sem):
        wid = lax.axis_index("s") * 2 + lax.axis_index("c")
        base = wid * TPW
        for half in range(2):
            b2 = base + half * HCH
            pltpu.sync_copy(p1_hbm.at[pl.ds(b2, HCH)], idx_v)
            pltpu.async_copy(os_hbm.at[idx_v], rows_v, sem).wait()
            pltpu.sync_copy(rows_v, g1_hbm.at[pl.ds(b2, HCH)])
            pltpu.sync_copy(p2_hbm.at[pl.ds(b2, HCH)], idx_v)
            pltpu.async_copy(os_hbm.at[idx_v], rows_v, sem).wait()
            pltpu.sync_copy(rows_v, g2_hbm.at[pl.ds(b2, HCH)])

    return k(os_3d, p1, p2)



def _moe2_kernel(be_ref, bg_ref, x_ref, wg_ref, wu_ref, wd_ref, o_ref):
    x = jnp.concatenate([x_ref[:, j, :] for j in range(H // 128)],
                        axis=1).astype(jnp.bfloat16)
    gate = jax.lax.dot(x, wg_ref[0], preferred_element_type=jnp.float32)
    up = jax.lax.dot(x, wu_ref[0], preferred_element_type=jnp.float32)
    act = (gate * jax.lax.logistic(gate)) * up
    down = jax.lax.dot(act.astype(jnp.bfloat16), wd_ref[0],
                       preferred_element_type=jnp.float32)
    for j in range(H // 128):
        o_ref[:, j, :] = down[:, j * 128:(j + 1) * 128]



def _comb_kernel(res2_ref, g1_ref, g2_ref, wv_ref, y_ref):
    wv = wv_ref[...]
    w1 = wv[:, :1]
    w2 = wv[:, 1:2]
    for j in range(H // 128):
        sl = slice(j * 128, (j + 1) * 128)
        y_ref[:, sl] = (res2_ref[:, sl] + w1 * g1_ref[:, j, :]
                        + w2 * g2_ref[:, j, :])


def _build(hidden_states, cos, sin, Wq, Wk, Wv, Wo, ln1_w, ln2_w,
           router_w, Wg, Wu, Wd):
    hs = hidden_states.reshape(T, H)
    ln1 = ln1_w.reshape(1, H)
    ln2 = ln2_w.reshape(1, H)
    wq_b = Wq.T.astype(jnp.bfloat16)
    wk_b = Wk.T.astype(jnp.bfloat16)
    wv_b = Wv.T.astype(jnp.bfloat16)
    wo_b = Wo.T.astype(jnp.bfloat16)
    rw_b = jnp.zeros((128, H), jnp.float32).at[:E].set(router_w) \
        .T.astype(jnp.bfloat16)

    n_t = T // BLK_T
    q, k, v = pl.pallas_call(
        _pre_kernel,
        grid=(n_t,),
        in_specs=[
            pl.BlockSpec((BLK_T, H), lambda i: (i, 0)),
            pl.BlockSpec((1, H), lambda i: (0, 0)),
            pl.BlockSpec((H, NH * HD), lambda i: (0, 0)),
            pl.BlockSpec((H, NKV * HD), lambda i: (0, 0)),
            pl.BlockSpec((H, NKV * HD), lambda i: (0, 0)),
        ],
        out_specs=[
            pl.BlockSpec((NH, BLK_T, HD), lambda i: (0, i, 0)),
            pl.BlockSpec((NKV, BLK_T, HD), lambda i: (0, i, 0)),
            pl.BlockSpec((NKV, BLK_T, HD), lambda i: (0, i, 0)),
        ],
        out_shape=[
            jax.ShapeDtypeStruct((NH, T, HD), jnp.bfloat16),
            jax.ShapeDtypeStruct((NKV, T, HD), jnp.bfloat16),
            jax.ShapeDtypeStruct((NKV, T, HD), jnp.bfloat16),
        ],
    )(hs, ln1, wq_b, wk_b, wv_b)

    n_q = S // BLK_Q
    n_k = S // BLK_K
    cos_q = jnp.tile(cos.reshape(n_q, 1, BLK_Q, HD), (1, GRP, 1, 1)) \
        .reshape(n_q, QROWS, HD)
    sin_q = jnp.tile(sin.reshape(n_q, 1, BLK_Q, HD), (1, GRP, 1, 1)) \
        .reshape(n_q, QROWS, HD)
    r = jnp.arange(BLK_Q)[:, None]
    c = jnp.arange(BLK_K)[None, :]
    mask1 = jnp.where(r >= c, 0.0, NEG).astype(jnp.float32)
    mask = jnp.tile(mask1, (GRP, 1))

    pairs = [(a, b2) for a in range(n_q) for b2 in range(a + 1)]
    n_p = len(pairs)
    iq_arr = jnp.asarray([p[0] for p in pairs], jnp.int32)
    ik_arr = jnp.asarray([p[1] for p in pairs], jnp.int32)

    attn = pl.pallas_call(
        _flash_kernel,
        grid_spec=pltpu.PrefetchScalarGridSpec(
            num_scalar_prefetch=2,
            grid=(B, NKV, n_p),
            in_specs=[
                pl.BlockSpec((GRP, BLK_Q, HD),
                             lambda b, g, p, iqa, ika: (g, b * n_q + iqa[p], 0)),
                pl.BlockSpec((1, BLK_K, HD),
                             lambda b, g, p, iqa, ika: (g, b * n_k + ika[p], 0)),
                pl.BlockSpec((1, BLK_K, HD),
                             lambda b, g, p, iqa, ika: (g, b * n_k + ika[p], 0)),
                pl.BlockSpec((1, QROWS, HD),
                             lambda b, g, p, iqa, ika: (iqa[p], 0, 0)),
                pl.BlockSpec((1, QROWS, HD),
                             lambda b, g, p, iqa, ika: (iqa[p], 0, 0)),
                pl.BlockSpec((BLK_K, HD),
                             lambda b, g, p, iqa, ika: (ika[p], 0)),
                pl.BlockSpec((BLK_K, HD),
                             lambda b, g, p, iqa, ika: (ika[p], 0)),
                pl.BlockSpec((QROWS, BLK_K),
                             lambda b, g, p, iqa, ika: (0, 0)),
            ],
            out_specs=pl.BlockSpec(
                (GRP, BLK_Q, HD),
                lambda b, g, p, iqa, ika: (g, b * n_q + iqa[p], 0)),
            scratch_shapes=[
                pltpu.VMEM((QROWS, HD), jnp.float32),
                pltpu.VMEM((QROWS, 128), jnp.float32),
                pltpu.VMEM((QROWS, 128), jnp.float32),
            ],
        ),
        out_shape=jax.ShapeDtypeStruct((NH, T, HD), jnp.float32),
        compiler_params=pltpu.CompilerParams(
            dimension_semantics=("parallel", "parallel", "arbitrary"),
        ),
    )(iq_arr, ik_arr, q, k, v, cos_q, sin_q, cos, sin, mask)

    res2, xn2, wv, pidx, desc = pl.pallas_call(
        _post_kernel,
        grid=(n_t,),
        in_specs=[
            pl.BlockSpec((NH, BLK_T, HD), lambda i: (0, i, 0)),
            pl.BlockSpec((BLK_T, H), lambda i: (i, 0)),
            pl.BlockSpec((1, H), lambda i: (0, 0)),
            pl.BlockSpec((NH * HD, H), lambda i: (0, 0)),
            pl.BlockSpec((H, 128), lambda i: (0, 0)),
        ],
        out_specs=[
            pl.BlockSpec((BLK_T, H), lambda i: (i, 0)),
            pl.BlockSpec((BLK_T, H // 128, 128), lambda i: (i, 0, 0)),
            pl.BlockSpec((BLK_T, 128), lambda i: (i, 0)),
            pl.BlockSpec((BLK_T, 128), lambda i: (i, 0)),
            pl.BlockSpec((8, 128), lambda i: (0, 0)),
        ],
        out_shape=[
            jax.ShapeDtypeStruct((T, H), jnp.float32),
            jax.ShapeDtypeStruct((T, H // 128, 128), jnp.float32),
            jax.ShapeDtypeStruct((T, 128), jnp.float32),
            jax.ShapeDtypeStruct((T, 128), jnp.int32),
            jax.ShapeDtypeStruct((8, 128), jnp.int32),
        ],
        scratch_shapes=[pltpu.VMEM((1, 128), jnp.float32)],
        compiler_params=pltpu.CompilerParams(
            dimension_semantics=("arbitrary",),
        ),
    )(attn, hs, ln2, wo_b, rw_b)

    p1 = pidx[:, 0]
    p2 = pidx[:, 1]
    be = desc[0]
    bg = desc[1]

    xg = _sc_dispatch(xn2, p1, p2)

    wg_b = Wg.transpose(0, 2, 1).astype(jnp.bfloat16)
    wu_b = Wu.transpose(0, 2, 1).astype(jnp.bfloat16)
    wd_b = Wd.transpose(0, 2, 1).astype(jnp.bfloat16)

    os_ = pl.pallas_call(
        _moe2_kernel,
        grid_spec=pltpu.PrefetchScalarGridSpec(
            num_scalar_prefetch=2,
            grid=(NBLK,),
            in_specs=[
                pl.BlockSpec((BLK_T, H // 128, 128),
                             lambda s, be, bg: (bg[s], 0, 0)),
                pl.BlockSpec((1, H, I), lambda s, be, bg: (be[s], 0, 0)),
                pl.BlockSpec((1, H, I), lambda s, be, bg: (be[s], 0, 0)),
                pl.BlockSpec((1, I, H), lambda s, be, bg: (be[s], 0, 0)),
            ],
            out_specs=pl.BlockSpec((BLK_T, H // 128, 128),
                                   lambda s, be, bg: (bg[s], 0, 0)),
        ),
        out_shape=jax.ShapeDtypeStruct((E * CAP, H // 128, 128), jnp.float32),
        compiler_params=pltpu.CompilerParams(
            dimension_semantics=("arbitrary",),
        ),
    )(be, bg, xg, wg_b, wu_b, wd_b)

    g1, g2 = _sc_collect(os_, p1, p2)

    y = pl.pallas_call(
        _comb_kernel,
        grid=(n_t,),
        in_specs=[
            pl.BlockSpec((BLK_T, H), lambda i: (i, 0)),
            pl.BlockSpec((BLK_T, H // 128, 128), lambda i: (i, 0, 0)),
            pl.BlockSpec((BLK_T, H // 128, 128), lambda i: (i, 0, 0)),
            pl.BlockSpec((BLK_T, 128), lambda i: (i, 0)),
        ],
        out_specs=pl.BlockSpec((BLK_T, H), lambda i: (i, 0)),
        out_shape=jax.ShapeDtypeStruct((T, H), jnp.float32),
    )(res2, g1, g2, wv)

    return y.reshape(B, S, H)


@jax.jit
def kernel(hidden_states, cos, sin, Wq, Wk, Wv, Wo, ln1_w, ln2_w,
           router_w, Wg, Wu, Wd):
    return _build(hidden_states, cos, sin, Wq, Wk, Wv, Wo, ln1_w, ln2_w,
                  router_w, Wg, Wu, Wd)

# --- scband reference (transcript-rebuilt; emitter-appended) ---
"""Pipeline reference for scband-hfprefix-decoder-layer-86371792322898 (READ-ONLY COPY).

The authoritative reference and input builder live on the scoring server;
editing this copy changes nothing except your own understanding.
"""

import jax, jax.numpy as jnp
import numpy as np

B, S, H = 2, 2048, 1024
NH, NKV, HD = 16, 4, 64
I, E, K = 512, 8, 2
EPS = 1e-6


def setup_inputs(seed: int = 0) -> dict:
    key = jax.random.key(seed)
    ks = jax.random.split(key, 12)
    hidden_states = jax.random.normal(ks[0], (B, S, H), jnp.float32)
    pos = jnp.arange(S, dtype=jnp.float32)[:, None]
    inv_freq = 1.0 / (10000.0 ** (jnp.arange(0, HD, 2, dtype=jnp.float32) / HD))
    freqs = pos * inv_freq[None, :]
    emb = jnp.concatenate([freqs, freqs], axis=-1)
    cos = jnp.cos(emb)
    sin = jnp.sin(emb)
    Wq = jax.random.normal(ks[1], (NH * HD, H), jnp.float32) * 0.02
    Wk = jax.random.normal(ks[2], (NKV * HD, H), jnp.float32) * 0.02
    Wv = jax.random.normal(ks[3], (NKV * HD, H), jnp.float32) * 0.02
    Wo = jax.random.normal(ks[4], (H, NH * HD), jnp.float32) * 0.02
    ln1_w = jnp.ones((H,), jnp.float32)
    ln2_w = jnp.ones((H,), jnp.float32)
    router_w = jax.random.normal(ks[5], (E, H), jnp.float32) * 0.02
    Wg = jax.random.normal(ks[6], (E, I, H), jnp.float32) * 0.02
    Wu = jax.random.normal(ks[7], (E, I, H), jnp.float32) * 0.02
    Wd = jax.random.normal(ks[8], (E, H, I), jnp.float32) * 0.02
    return {"hidden_states": hidden_states, "cos": cos, "sin": sin,
            "Wq": Wq, "Wk": Wk, "Wv": Wv, "Wo": Wo,
            "ln1_w": ln1_w, "ln2_w": ln2_w, "router_w": router_w,
            "Wg": Wg, "Wu": Wu, "Wd": Wd}


def _rms_norm(x, w, eps=EPS):
    var = jnp.mean(x * x, axis=-1, keepdims=True)
    return x * jax.lax.rsqrt(var + eps) * w


def _rotate_half(x):
    x1, x2 = jnp.split(x, 2, axis=-1)
    return jnp.concatenate([-x2, x1], axis=-1)


def _apply_rope(x, cos, sin):
    # x: [B, n_heads, S, HD]; cos/sin: [S, HD]
    c = cos[None, None, :, :]
    s = sin[None, None, :, :]
    return x * c + _rotate_half(x) * s


def _attention(hs, cos, sin, Wq, Wk, Wv, Wo):
    b, s, _ = hs.shape
    q = (hs @ Wq.T).reshape(b, s, NH, HD).transpose(0, 2, 1, 3)
    k = (hs @ Wk.T).reshape(b, s, NKV, HD).transpose(0, 2, 1, 3)
    v = (hs @ Wv.T).reshape(b, s, NKV, HD).transpose(0, 2, 1, 3)
    q = _apply_rope(q, cos, sin)
    k = _apply_rope(k, cos, sin)
    rep = NH // NKV
    k = jnp.repeat(k, rep, axis=1)
    v = jnp.repeat(v, rep, axis=1)
    scale = HD ** (-0.5)
    scores = jnp.einsum('bhqd,bhkd->bhqk', q, k) * scale
    mask = jnp.tril(jnp.ones((s, s), dtype=bool))
    scores = jnp.where(mask[None, None, :, :], scores, -1e9)
    attn = jax.nn.softmax(scores, axis=-1)
    out = jnp.einsum('bhqk,bhkd->bhqd', attn, v)
    out = out.transpose(0, 2, 1, 3).reshape(b, s, NH * HD)
    return out @ Wo.T


def _moe(hs, router_w, Wg, Wu, Wd):
    b, s, h = hs.shape
    x = hs.reshape(-1, h)
    T = x.shape[0]
    logits = x @ router_w.T
    scores = jax.nn.softmax(logits.astype(jnp.float32), axis=-1)
    topk_w, topk_idx = jax.lax.top_k(scores, K)
    topk_w = topk_w / jnp.sum(topk_w, axis=-1, keepdims=True)
    combine = jnp.zeros((T, E), jnp.float32).at[jnp.arange(T)[:, None], topk_idx].add(topk_w)
    gate = jnp.einsum('th,eih->tei', x, Wg)
    up = jnp.einsum('th,eih->tei', x, Wu)
    act = jax.nn.silu(gate) * up
    expert_out = jnp.einsum('tei,ehi->teh', act, Wd)
    y = jnp.einsum('teh,te->th', expert_out, combine)
    return y.reshape(b, s, h)


def reference(hidden_states, cos, sin, Wq, Wk, Wv, Wo, ln1_w, ln2_w, router_w, Wg, Wu, Wd):
    residual = hidden_states
    hs = _rms_norm(hidden_states, ln1_w)
    hs = _attention(hs, cos, sin, Wq, Wk, Wv, Wo)
    hs = residual + hs
    residual = hs
    hs = _rms_norm(hs, ln2_w)
    hs = _moe(hs, router_w, Wg, Wu, Wd)
    return residual + hs

if __name__ == "__main__":
    import jax
    _d = setup_inputs()
    print(jax.jit(kernel)(*tuple(_d.values())))

</pallas_src>

<mosaic_0001>
#map = affine_map<(d0, d1) -> (0, 0, 0)>
#map1 = affine_map<(d0, d1) -> (0)>
module attributes {stable_mosaic.version = 14 : i64} {
  func.func @k(%arg0: i32, %arg1: i32, %arg2: memref<32768x8x128xf32, #tpu.memory_space<hbm>>, %arg3: memref<4096xi32, #tpu.memory_space<hbm>>, %arg4: memref<4096xi32, #tpu.memory_space<hbm>>, %arg5: memref<4096x8x128xf32, #tpu.memory_space<hbm>>, %arg6: memref<4096x8x128xf32, #tpu.memory_space<hbm>>, %arg7: memref<64xi32, #tpu.memory_space<vmem>>, %arg8: memref<64x8x128xf32, #tpu.memory_space<vmem>>, %arg9: memref<!tpu.dma_semaphore, #tpu.memory_space<semaphore_mem>>) attributes {dimension_semantics = [#tpu.dimension_semantics<core_parallel>, #tpu.dimension_semantics<subcore_parallel>], iteration_bounds = array<i64: 2, 16>, scalar_prefetch = 0 : i64, scratch_operands = 3 : i64, tpu.core_type = #tpu.core_type<sc_vector_subcore>, window_params = [{transform_indices = #map}, {transform_indices = #map1}, {transform_indices = #map1}, {transform_indices = #map}, {transform_indices = #map}]} {
    %mul3A = arith.constant 2 : i32
    %mul3A_0 = arith.muli %arg1, %mul3A : i32
    %add3A = arith.addi %mul3A_0, %arg0 : i32
    %mul3A_1 = arith.constant 128 : i32
    %mul3A_2 = arith.muli %add3A, %mul3A_1 : i32
    %add3A_3 = arith.constant 0 : i32
    %add3A_4 = arith.addi %mul3A_2, %add3A_3 : i32
    "tpu.region"() ({
      %run_scoped3A = tpu.sem_alloc : memref<!tpu.dma_semaphore, #tpu.memory_space<semaphore_mem>>
      %dma_start3A_37 = tpu.memref_slice %arg3[%add3A_4] : memref<4096xi32, #tpu.memory_space<hbm>> -> memref<64xi32, #tpu.memory_space<hbm>>
      %dma_start3A_38 = tpu.memref_slice %arg3[%add3A_4] : memref<4096xi32, #tpu.memory_space<hbm>> -> memref<64xi32, #tpu.memory_space<hbm>>
      tpu.enqueue_dma source(%dma_start3A_38 : memref<64xi32, #tpu.memory_space<hbm>>) target(%arg7 : memref<64xi32, #tpu.memory_space<vmem>>) target_semaphore(%run_scoped3A : memref<!tpu.dma_semaphore, #tpu.memory_space<semaphore_mem>>)
      %dma_wait3A_39 = tpu.memref_slice %arg3[%add3A_4] : memref<4096xi32, #tpu.memory_space<hbm>> -> memref<64xi32, #tpu.memory_space<hbm>>
      %dma_wait3A_40 = tpu.memref_slice %arg3[%add3A_4] : memref<4096xi32, #tpu.memory_space<hbm>> -> memref<64xi32, #tpu.memory_space<hbm>>
      tpu.wait_dma2 semaphore(%run_scoped3A : memref<!tpu.dma_semaphore, #tpu.memory_space<semaphore_mem>>) src(%dma_wait3A_40 : memref<64xi32, #tpu.memory_space<hbm>>) dst(%arg7 : memref<64xi32, #tpu.memory_space<vmem>>)
      tpu.yield
    }) : () -> ()
    %dma_start3A = arith.constant 0 : i32
    %dma_start3A_5 = arith.constant 0 : i32
    %dma_start3A_6 = arith.constant 0 : i32
    %dma_start3A_7 = tpu.memref_slice %arg2[%dma_start3A, %dma_start3A_5, %dma_start3A_6] : memref<32768x8x128xf32, #tpu.memory_space<hbm>> -> memref<32768x8x128xf32, #tpu.memory_space<hbm>>
    tpu.enqueue_indirect_dma source(%dma_start3A_7 : memref<32768x8x128xf32, #tpu.memory_space<hbm>>) target(%arg8 : memref<64x8x128xf32, #tpu.memory_space<vmem>>) offsets(%arg7 : memref<64xi32, #tpu.memory_space<vmem>>) semaphore(%arg9 : memref<!tpu.dma_semaphore, #tpu.memory_space<semaphore_mem>>)
    %dma_wait3A = arith.constant 0 : i32
    %dma_wait3A_8 = arith.constant 0 : i32
    %dma_wait3A_9 = arith.constant 0 : i32
    %dma_wait3A_10 = tpu.memref_slice %arg2[%dma_wait3A, %dma_wait3A_8, %dma_wait3A_9] : memref<32768x8x128xf32, #tpu.memory_space<hbm>> -> memref<32768x8x128xf32, #tpu.memory_space<hbm>>
    tpu.wait_indirect_dma semaphore(%arg9 : memref<!tpu.dma_semaphore, #tpu.memory_space<semaphore_mem>>) src(%dma_wait3A_10 : memref<32768x8x128xf32, #tpu.memory_space<hbm>>) dst(%arg8 : memref<64x8x128xf32, #tpu.memory_space<vmem>>)
    "tpu.region"() ({
      %run_scoped3A = tpu.sem_alloc : memref<!tpu.dma_semaphore, #tpu.memory_space<semaphore_mem>>
      %dma_start3A_37 = arith.constant 0 : i32
      %dma_start3A_38 = arith.constant 0 : i32
      %dma_start3A_39 = tpu.memref_slice %arg5[%add3A_4, %dma_start3A_37, %dma_start3A_38] : memref<4096x8x128xf32, #tpu.memory_space<hbm>> -> memref<64x8x128xf32, #tpu.memory_space<hbm>>
      %dma_start3A_40 = arith.constant 0 : i32
      %dma_start3A_41 = arith.constant 0 : i32
      %dma_start3A_42 = tpu.memref_slice %arg5[%add3A_4, %dma_start3A_40, %dma_start3A_41] : memref<4096x8x128xf32, #tpu.memory_space<hbm>> -> memref<64x8x128xf32, #tpu.memory_space<hbm>>
      tpu.enqueue_dma source(%arg8 : memref<64x8x128xf32, #tpu.memory_space<vmem>>) target(%dma_start3A_42 : memref<64x8x128xf32, #tpu.memory_space<hbm>>) target_semaphore(%run_scoped3A : memref<!tpu.dma_semaphore, #tpu.memory_space<semaphore_mem>>)
      %dma_wait3A_43 = arith.constant 0 : i32
      %dma_wait3A_44 = arith.constant 0 : i32
      %dma_wait3A_45 = tpu.memref_slice %arg5[%add3A_4, %dma_wait3A_43, %dma_wait3A_44] : memref<4096x8x128xf32, #tpu.memory_space<hbm>> -> memref<64x8x128xf32, #tpu.memory_space<hbm>>
      %dma_wait3A_46 = arith.constant 0 : i32
      %dma_wait3A_47 = arith.constant 0 : i32
      %dma_wait3A_48 = tpu.memref_slice %arg5[%add3A_4, %dma_wait3A_46, %dma_wait3A_47] : memref<4096x8x128xf32, #tpu.memory_space<hbm>> -> memref<64x8x128xf32, #tpu.memory_space<hbm>>
      tpu.wait_dma2 semaphore(%run_scoped3A : memref<!tpu.dma_semaphore, #tpu.memory_space<semaphore_mem>>) src(%arg8 : memref<64x8x128xf32, #tpu.memory_space<vmem>>) dst(%dma_wait3A_48 : memref<64x8x128xf32, #tpu.memory_space<hbm>>)
      tpu.yield
    }) : () -> ()
    "tpu.region"() ({
      %run_scoped3A = tpu.sem_alloc : memref<!tpu.dma_semaphore, #tpu.memory_space<semaphore_mem>>
      %dma_start3A_37 = tpu.memref_slice %arg4[%add3A_4] : memref<4096xi32, #tpu.memory_space<hbm>> -> memref<64xi32, #tpu.memory_space<hbm>>
      %dma_start3A_38 = tpu.memref_slice %arg4[%add3A_4] : memref<4096xi32, #tpu.memory_space<hbm>> -> memref<64xi32, #tpu.memory_space<hbm>>
      tpu.enqueue_dma source(%dma_start3A_38 : memref<64xi32, #tpu.memory_space<hbm>>) target(%arg7 : memref<64xi32, #tpu.memory_space<vmem>>) target_semaphore(%run_scoped3A : memref<!tpu.dma_semaphore, #tpu.memory_space<semaphore_mem>>)
      %dma_wait3A_39 = tpu.memref_slice %arg4[%add3A_4] : memref<4096xi32, #tpu.memory_space<hbm>> -> memref<64xi32, #tpu.memory_space<hbm>>
      %dma_wait3A_40 = tpu.memref_slice %arg4[%add3A_4] : memref<4096xi32, #tpu.memory_space<hbm>> -> memref<64xi32, #tpu.memory_space<hbm>>
      tpu.wait_dma2 semaphore(%run_scoped3A : memref<!tpu.dma_semaphore, #tpu.memory_space<semaphore_mem>>) src(%dma_wait3A_40 : memref<64xi32, #tpu.memory_space<hbm>>) dst(%arg7 : memref<64xi32, #tpu.memory_space<vmem>>)
      tpu.yield
    }) : () -> ()
    %dma_start3A_11 = arith.constant 0 : i32
    %dma_start3A_12 = arith.constant 0 : i32
    %dma_start3A_13 = arith.constant 0 : i32
    %dma_start3A_14 = tpu.memref_slice %arg2[%dma_start3A_11, %dma_start3A_12, %dma_start3A_13] : memref<32768x8x128xf32, #tpu.memory_space<hbm>> -> memref<32768x8x128xf32, #tpu.memory_space<hbm>>
    tpu.enqueue_indirect_dma source(%dma_start3A_14 : memref<32768x8x128xf32, #tpu.memory_space<hbm>>) target(%arg8 : memref<64x8x128xf32, #tpu.memory_space<vmem>>) offsets(%arg7 : memref<64xi32, #tpu.memory_space<vmem>>) semaphore(%arg9 : memref<!tpu.dma_semaphore, #tpu.memory_space<semaphore_mem>>)
    %dma_wait3A_15 = arith.constant 0 : i32
    %dma_wait3A_16 = arith.constant 0 : i32
    %dma_wait3A_17 = arith.constant 0 : i32
    %dma_wait3A_18 = tpu.memref_slice %arg2[%dma_wait3A_15, %dma_wait3A_16, %dma_wait3A_17] : memref<32768x8x128xf32, #tpu.memory_space<hbm>> -> memref<32768x8x128xf32, #tpu.memory_space<hbm>>
    tpu.wait_indirect_dma semaphore(%arg9 : memref<!tpu.dma_semaphore, #tpu.memory_space<semaphore_mem>>) src(%dma_wait3A_18 : memref<32768x8x128xf32, #tpu.memory_space<hbm>>) dst(%arg8 : memref<64x8x128xf32, #tpu.memory_space<vmem>>)
    "tpu.region"() ({
      %run_scoped3A = tpu.sem_alloc : memref<!tpu.dma_semaphore, #tpu.memory_space<semaphore_mem>>
      %dma_start3A_37 = arith.constant 0 : i32
      %dma_start3A_38 = arith.constant 0 : i32
      %dma_start3A_39 = tpu.memref_slice %arg6[%add3A_4, %dma_start3A_37, %dma_start3A_38] : memref<4096x8x128xf32, #tpu.memory_space<hbm>> -> memref<64x8x128xf32, #tpu.memory_space<hbm>>
      %dma_start3A_40 = arith.constant 0 : i32
      %dma_start3A_41 = arith.constant 0 : i32
      %dma_start3A_42 = tpu.memref_slice %arg6[%add3A_4, %dma_start3A_40, %dma_start3A_41] : memref<4096x8x128xf32, #tpu.memory_space<hbm>> -> memref<64x8x128xf32, #tpu.memory_space<hbm>>
      tpu.enqueue_dma source(%arg8 : memref<64x8x128xf32, #tpu.memory_space<vmem>>) target(%dma_start3A_42 : memref<64x8x128xf32, #tpu.memory_space<hbm>>) target_semaphore(%run_scoped3A : memref<!tpu.dma_semaphore, #tpu.memory_space<semaphore_mem>>)
      %dma_wait3A_43 = arith.constant 0 : i32
      %dma_wait3A_44 = arith.constant 0 : i32
      %dma_wait3A_45 = tpu.memref_slice %arg6[%add3A_4, %dma_wait3A_43, %dma_wait3A_44] : memref<4096x8x128xf32, #tpu.memory_space<hbm>> -> memref<64x8x128xf32, #tpu.memory_space<hbm>>
      %dma_wait3A_46 = arith.constant 0 : i32
      %dma_wait3A_47 = arith.constant 0 : i32
      %dma_wait3A_48 = tpu.memref_slice %arg6[%add3A_4, %dma_wait3A_46, %dma_wait3A_47] : memref<4096x8x128xf32, #tpu.memory_space<hbm>> -> memref<64x8x128xf32, #tpu.memory_space<hbm>>
      tpu.wait_dma2 semaphore(%run_scoped3A : memref<!tpu.dma_semaphore, #tpu.memory_space<semaphore_mem>>) src(%arg8 : memref<64x8x128xf32, #tpu.memory_space<vmem>>) dst(%dma_wait3A_48 : memref<64x8x128xf32, #tpu.memory_space<hbm>>)
      tpu.yield
    }) : () -> ()
    %add3A_19 = arith.constant 64 : i32
    %add3A_20 = arith.addi %mul3A_2, %add3A_19 : i32
    "tpu.region"() ({
      %run_scoped3A = tpu.sem_alloc : memref<!tpu.dma_semaphore, #tpu.memory_space<semaphore_mem>>
      %dma_start3A_37 = tpu.memref_slice %arg3[%add3A_20] : memref<4096xi32, #tpu.memory_space<hbm>> -> memref<64xi32, #tpu.memory_space<hbm>>
      %dma_start3A_38 = tpu.memref_slice %arg3[%add3A_20] : memref<4096xi32, #tpu.memory_space<hbm>> -> memref<64xi32, #tpu.memory_space<hbm>>
      tpu.enqueue_dma source(%dma_start3A_38 : memref<64xi32, #tpu.memory_space<hbm>>) target(%arg7 : memref<64xi32, #tpu.memory_space<vmem>>) target_semaphore(%run_scoped3A : memref<!tpu.dma_semaphore, #tpu.memory_space<semaphore_mem>>)
      %dma_wait3A_39 = tpu.memref_slice %arg3[%add3A_20] : memref<4096xi32, #tpu.memory_space<hbm>> -> memref<64xi32, #tpu.memory_space<hbm>>
      %dma_wait3A_40 = tpu.memref_slice %arg3[%add3A_20] : memref<4096xi32, #tpu.memory_space<hbm>> -> memref<64xi32, #tpu.memory_space<hbm>>
      tpu.wait_dma2 semaphore(%run_scoped3A : memref<!tpu.dma_semaphore, #tpu.memory_space<semaphore_mem>>) src(%dma_wait3A_40 : memref<64xi32, #tpu.memory_space<hbm>>) dst(%arg7 : memref<64xi32, #tpu.memory_space<vmem>>)
      tpu.yield
    }) : () -> ()
    %dma_start3A_21 = arith.constant 0 : i32
    %dma_start3A_22 = arith.constant 0 : i32
    %dma_start3A_23 = arith.constant 0 : i32
    %dma_start3A_24 = tpu.memref_slice %arg2[%dma_start3A_21, %dma_start3A_22, %dma_start3A_23] : memref<32768x8x128xf32, #tpu.memory_space<hbm>> -> memref<32768x8x128xf32, #tpu.memory_space<hbm>>
    tpu.enqueue_indirect_dma source(%dma_start3A_24 : memref<32768x8x128xf32, #tpu.memory_space<hbm>>) target(%arg8 : memref<64x8x128xf32, #tpu.memory_space<vmem>>) offsets(%arg7 : memref<64xi32, #tpu.memory_space<vmem>>) semaphore(%arg9 : memref<!tpu.dma_semaphore, #tpu.memory_space<semaphore_mem>>)
    %dma_wait3A_25 = arith.constant 0 : i32
    %dma_wait3A_26 = arith.constant 0 : i32
    %dma_wait3A_27 = arith.constant 0 : i32
    %dma_wait3A_28 = tpu.memref_slice %arg2[%dma_wait3A_25, %dma_wait3A_26, %dma_wait3A_27] : memref<32768x8x128xf32, #tpu.memory_space<hbm>> -> memref<32768x8x128xf32, #tpu.memory_space<hbm>>
    tpu.wait_indirect_dma semaphore(%arg9 : memref<!tpu.dma_semaphore, #tpu.memory_space<semaphore_mem>>) src(%dma_wait3A_28 : memref<32768x8x128xf32, #tpu.memory_space<hbm>>) dst(%arg8 : memref<64x8x128xf32, #tpu.memory_space<vmem>>)
    "tpu.region"() ({
      %run_scoped3A = tpu.sem_alloc : memref<!tpu.dma_semaphore, #tpu.memory_space<semaphore_mem>>
      %dma_start3A_37 = arith.constant 0 : i32
      %dma_start3A_38 = arith.constant 0 : i32
      %dma_start3A_39 = tpu.memref_slice %arg5[%add3A_20, %dma_start3A_37, %dma_start3A_38] : memref<4096x8x128xf32, #tpu.memory_space<hbm>> -> memref<64x8x128xf32, #tpu.memory_space<hbm>>
      %dma_start3A_40 = arith.constant 0 : i32
      %dma_start3A_41 = arith.constant 0 : i32
      %dma_start3A_42 = tpu.memref_slice %arg5[%add3A_20, %dma_start3A_40, %dma_start3A_41] : memref<4096x8x128xf32, #tpu.memory_space<hbm>> -> memref<64x8x128xf32, #tpu.memory_space<hbm>>
      tpu.enqueue_dma source(%arg8 : memref<64x8x128xf32, #tpu.memory_space<vmem>>) target(%dma_start3A_42 : memref<64x8x128xf32, #tpu.memory_space<hbm>>) target_semaphore(%run_scoped3A : memref<!tpu.dma_semaphore, #tpu.memory_space<semaphore_mem>>)
      %dma_wait3A_43 = arith.constant 0 : i32
      %dma_wait3A_44 = arith.constant 0 : i32
      %dma_wait3A_45 = tpu.memref_slice %arg5[%add3A_20, %dma_wait3A_43, %dma_wait3A_44] : memref<4096x8x128xf32, #tpu.memory_space<hbm>> -> memref<64x8x128xf32, #tpu.memory_space<hbm>>
      %dma_wait3A_46 = arith.constant 0 : i32
      %dma_wait3A_47 = arith.constant 0 : i32
      %dma_wait3A_48 = tpu.memref_slice %arg5[%add3A_20, %dma_wait3A_46, %dma_wait3A_47] : memref<4096x8x128xf32, #tpu.memory_space<hbm>> -> memref<64x8x128xf32, #tpu.memory_space<hbm>>
      tpu.wait_dma2 semaphore(%run_scoped3A : memref<!tpu.dma_semaphore, #tpu.memory_space<semaphore_mem>>) src(%arg8 : memref<64x8x128xf32, #tpu.memory_space<vmem>>) dst(%dma_wait3A_48 : memref<64x8x128xf32, #tpu.memory_space<hbm>>)
      tpu.yield
    }) : () -> ()
    "tpu.region"() ({
      %run_scoped3A = tpu.sem_alloc : memref<!tpu.dma_semaphore, #tpu.memory_space<semaphore_mem>>
      %dma_start3A_37 = tpu.memref_slice %arg4[%add3A_20] : memref<4096xi32, #tpu.memory_space<hbm>> -> memref<64xi32, #tpu.memory_space<hbm>>
      %dma_start3A_38 = tpu.memref_slice %arg4[%add3A_20] : memref<4096xi32, #tpu.memory_space<hbm>> -> memref<64xi32, #tpu.memory_space<hbm>>
      tpu.enqueue_dma source(%dma_start3A_38 : memref<64xi32, #tpu.memory_space<hbm>>) target(%arg7 : memref<64xi32, #tpu.memory_space<vmem>>) target_semaphore(%run_scoped3A : memref<!tpu.dma_semaphore, #tpu.memory_space<semaphore_mem>>)
      %dma_wait3A_39 = tpu.memref_slice %arg4[%add3A_20] : memref<4096xi32, #tpu.memory_space<hbm>> -> memref<64xi32, #tpu.memory_space<hbm>>
      %dma_wait3A_40 = tpu.memref_slice %arg4[%add3A_20] : memref<4096xi32, #tpu.memory_space<hbm>> -> memref<64xi32, #tpu.memory_space<hbm>>
      tpu.wait_dma2 semaphore(%run_scoped3A : memref<!tpu.dma_semaphore, #tpu.memory_space<semaphore_mem>>) src(%dma_wait3A_40 : memref<64xi32, #tpu.memory_space<hbm>>) dst(%arg7 : memref<64xi32, #tpu.memory_space<vmem>>)
      tpu.yield
    }) : () -> ()
    %dma_start3A_29 = arith.constant 0 : i32
    %dma_start3A_30 = arith.constant 0 : i32
    %dma_start3A_31 = arith.constant 0 : i32
    %dma_start3A_32 = tpu.memref_slice %arg2[%dma_start3A_29, %dma_start3A_30, %dma_start3A_31] : memref<32768x8x128xf32, #tpu.memory_space<hbm>> -> memref<32768x8x128xf32, #tpu.memory_space<hbm>>
    tpu.enqueue_indirect_dma source(%dma_start3A_32 : memref<32768x8x128xf32, #tpu.memory_space<hbm>>) target(%arg8 : memref<64x8x128xf32, #tpu.memory_space<vmem>>) offsets(%arg7 : memref<64xi32, #tpu.memory_space<vmem>>) semaphore(%arg9 : memref<!tpu.dma_semaphore, #tpu.memory_space<semaphore_mem>>)
    %dma_wait3A_33 = arith.constant 0 : i32
    %dma_wait3A_34 = arith.constant 0 : i32
    %dma_wait3A_35 = arith.constant 0 : i32
    %dma_wait3A_36 = tpu.memref_slice %arg2[%dma_wait3A_33, %dma_wait3A_34, %dma_wait3A_35] : memref<32768x8x128xf32, #tpu.memory_space<hbm>> -> memref<32768x8x128xf32, #tpu.memory_space<hbm>>
    tpu.wait_indirect_dma semaphore(%arg9 : memref<!tpu.dma_semaphore, #tpu.memory_space<semaphore_mem>>) src(%dma_wait3A_36 : memref<32768x8x128xf32, #tpu.memory_space<hbm>>) dst(%arg8 : memref<64x8x128xf32, #tpu.memory_space<vmem>>)
    "tpu.region"() ({
      %run_scoped3A = tpu.sem_alloc : memref<!tpu.dma_semaphore, #tpu.memory_space<semaphore_mem>>
      %dma_start3A_37 = arith.constant 0 : i32
      %dma_start3A_38 = arith.constant 0 : i32
      %dma_start3A_39 = tpu.memref_slice %arg6[%add3A_20, %dma_start3A_37, %dma_start3A_38] : memref<4096x8x128xf32, #tpu.memory_space<hbm>> -> memref<64x8x128xf32, #tpu.memory_space<hbm>>
      %dma_start3A_40 = arith.constant 0 : i32
      %dma_start3A_41 = arith.constant 0 : i32
      %dma_start3A_42 = tpu.memref_slice %arg6[%add3A_20, %dma_start3A_40, %dma_start3A_41] : memref<4096x8x128xf32, #tpu.memory_space<hbm>> -> memref<64x8x128xf32, #tpu.memory_space<hbm>>
      tpu.enqueue_dma source(%arg8 : memref<64x8x128xf32, #tpu.memory_space<vmem>>) target(%dma_start3A_42 : memref<64x8x128xf32, #tpu.memory_space<hbm>>) target_semaphore(%run_scoped3A : memref<!tpu.dma_semaphore, #tpu.memory_space<semaphore_mem>>)
      %dma_wait3A_43 = arith.constant 0 : i32
      %dma_wait3A_44 = arith.constant 0 : i32
      %dma_wait3A_45 = tpu.memref_slice %arg6[%add3A_20, %dma_wait3A_43, %dma_wait3A_44] : memref<4096x8x128xf32, #tpu.memory_space<hbm>> -> memref<64x8x128xf32, #tpu.memory_space<hbm>>
      %dma_wait3A_46 = arith.constant 0 : i32
      %dma_wait3A_47 = arith.constant 0 : i32
      %dma_wait3A_48 = tpu.memref_slice %arg6[%add3A_20, %dma_wait3A_46, %dma_wait3A_47] : memref<4096x8x128xf32, #tpu.memory_space<hbm>> -> memref<64x8x128xf32, #tpu.memory_space<hbm>>
      tpu.wait_dma2 semaphore(%run_scoped3A : memref<!tpu.dma_semaphore, #tpu.memory_space<semaphore_mem>>) src(%arg8 : memref<64x8x128xf32, #tpu.memory_space<vmem>>) dst(%dma_wait3A_48 : memref<64x8x128xf32, #tpu.memory_space<hbm>>)
      tpu.yield
    }) : () -> ()
    return
  }
}

#map = affine_map<(d0, d1) -> (0, 0, 0)>
#map1 = affine_map<(d0, d1) -> (0)>
module attributes {stable_mosaic.version = 14 : i64} {
  func.func @k(%arg0: i32, %arg1: i32, %arg2: memref<4096x8x128xf32, #tpu.memory_space<hbm>>, %arg3: memref<4096xi32, #tpu.memory_space<hbm>>, %arg4: memref<4096xi32, #tpu.memory_space<hbm>>, %arg5: memref<32768x8x128xf32, #tpu.memory_space<hbm>>, %arg6: memref<64xi32, #tpu.memory_space<vmem>>, %arg7: memref<64xi32, #tpu.memory_space<vmem>>, %arg8: memref<64x8x128xf32, #tpu.memory_space<vmem>>, %arg9: memref<!tpu.dma_semaphore, #tpu.memory_space<semaphore_mem>>, %arg10: memref<!tpu.dma_semaphore, #tpu.memory_space<semaphore_mem>>) attributes {dimension_semantics = [#tpu.dimension_semantics<core_parallel>, #tpu.dimension_semantics<subcore_parallel>], iteration_bounds = array<i64: 2, 16>, scalar_prefetch = 0 : i64, scratch_operands = 5 : i64, tpu.core_type = #tpu.core_type<sc_vector_subcore>, window_params = [{transform_indices = #map}, {transform_indices = #map1}, {transform_indices = #map1}, {transform_indices = #map}]} {
    %mul3A = arith.constant 2 : i32
    %mul3A_0 = arith.muli %arg1, %mul3A : i32
    %add3A = arith.addi %mul3A_0, %arg0 : i32
    %mul3A_1 = arith.constant 128 : i32
    %mul3A_2 = arith.muli %add3A, %mul3A_1 : i32
    %add3A_3 = arith.constant 0 : i32
    %add3A_4 = arith.addi %mul3A_2, %add3A_3 : i32
    "tpu.region"() ({
      %run_scoped3A = tpu.sem_alloc : memref<!tpu.dma_semaphore, #tpu.memory_space<semaphore_mem>>
      %dma_start3A_37 = tpu.memref_slice %arg3[%add3A_4] : memref<4096xi32, #tpu.memory_space<hbm>> -> memref<64xi32, #tpu.memory_space<hbm>>
      %dma_start3A_38 = tpu.memref_slice %arg3[%add3A_4] : memref<4096xi32, #tpu.memory_space<hbm>> -> memref<64xi32, #tpu.memory_space<hbm>>
      tpu.enqueue_dma source(%dma_start3A_38 : memref<64xi32, #tpu.memory_space<hbm>>) target(%arg6 : memref<64xi32, #tpu.memory_space<vmem>>) target_semaphore(%run_scoped3A : memref<!tpu.dma_semaphore, #tpu.memory_space<semaphore_mem>>)
      %dma_wait3A_39 = tpu.memref_slice %arg3[%add3A_4] : memref<4096xi32, #tpu.memory_space<hbm>> -> memref<64xi32, #tpu.memory_space<hbm>>
      %dma_wait3A_40 = tpu.memref_slice %arg3[%add3A_4] : memref<4096xi32, #tpu.memory_space<hbm>> -> memref<64xi32, #tpu.memory_space<hbm>>
      tpu.wait_dma2 semaphore(%run_scoped3A : memref<!tpu.dma_semaphore, #tpu.memory_space<semaphore_mem>>) src(%dma_wait3A_40 : memref<64xi32, #tpu.memory_space<hbm>>) dst(%arg6 : memref<64xi32, #tpu.memory_space<vmem>>)
      tpu.yield
    }) : () -> ()
    "tpu.region"() ({
      %run_scoped3A = tpu.sem_alloc : memref<!tpu.dma_semaphore, #tpu.memory_space<semaphore_mem>>
      %dma_start3A_37 = tpu.memref_slice %arg4[%add3A_4] : memref<4096xi32, #tpu.memory_space<hbm>> -> memref<64xi32, #tpu.memory_space<hbm>>
      %dma_start3A_38 = tpu.memref_slice %arg4[%add3A_4] : memref<4096xi32, #tpu.memory_space<hbm>> -> memref<64xi32, #tpu.memory_space<hbm>>
      tpu.enqueue_dma source(%dma_start3A_38 : memref<64xi32, #tpu.memory_space<hbm>>) target(%arg7 : memref<64xi32, #tpu.memory_space<vmem>>) target_semaphore(%run_scoped3A : memref<!tpu.dma_semaphore, #tpu.memory_space<semaphore_mem>>)
      %dma_wait3A_39 = tpu.memref_slice %arg4[%add3A_4] : memref<4096xi32, #tpu.memory_space<hbm>> -> memref<64xi32, #tpu.memory_space<hbm>>
      %dma_wait3A_40 = tpu.memref_slice %arg4[%add3A_4] : memref<4096xi32, #tpu.memory_space<hbm>> -> memref<64xi32, #tpu.memory_space<hbm>>
      tpu.wait_dma2 semaphore(%run_scoped3A : memref<!tpu.dma_semaphore, #tpu.memory_space<semaphore_mem>>) src(%dma_wait3A_40 : memref<64xi32, #tpu.memory_space<hbm>>) dst(%arg7 : memref<64xi32, #tpu.memory_space<vmem>>)
      tpu.yield
    }) : () -> ()
    "tpu.region"() ({
      %run_scoped3A = tpu.sem_alloc : memref<!tpu.dma_semaphore, #tpu.memory_space<semaphore_mem>>
      %dma_start3A_37 = arith.constant 0 : i32
      %dma_start3A_38 = arith.constant 0 : i32
      %dma_start3A_39 = tpu.memref_slice %arg2[%add3A_4, %dma_start3A_37, %dma_start3A_38] : memref<4096x8x128xf32, #tpu.memory_space<hbm>> -> memref<64x8x128xf32, #tpu.memory_space<hbm>>
      %dma_start3A_40 = arith.constant 0 : i32
      %dma_start3A_41 = arith.constant 0 : i32
      %dma_start3A_42 = tpu.memref_slice %arg2[%add3A_4, %dma_start3A_40, %dma_start3A_41] : memref<4096x8x128xf32, #tpu.memory_space<hbm>> -> memref<64x8x128xf32, #tpu.memory_space<hbm>>
      tpu.enqueue_dma source(%dma_start3A_42 : memref<64x8x128xf32, #tpu.memory_space<hbm>>) target(%arg8 : memref<64x8x128xf32, #tpu.memory_space<vmem>>) target_semaphore(%run_scoped3A : memref<!tpu.dma_semaphore, #tpu.memory_space<semaphore_mem>>)
      %dma_wait3A_43 = arith.constant 0 : i32
      %dma_wait3A_44 = arith.constant 0 : i32
      %dma_wait3A_45 = tpu.memref_slice %arg2[%add3A_4, %dma_wait3A_43, %dma_wait3A_44] : memref<4096x8x128xf32, #tpu.memory_space<hbm>> -> memref<64x8x128xf32, #tpu.memory_space<hbm>>
      %dma_wait3A_46 = arith.constant 0 : i32
      %dma_wait3A_47 = arith.constant 0 : i32
      %dma_wait3A_48 = tpu.memref_slice %arg2[%add3A_4, %dma_wait3A_46, %dma_wait3A_47] : memref<4096x8x128xf32, #tpu.memory_space<hbm>> -> memref<64x8x128xf32, #tpu.memory_space<hbm>>
      tpu.wait_dma2 semaphore(%run_scoped3A : memref<!tpu.dma_semaphore, #tpu.memory_space<semaphore_mem>>) src(%dma_wait3A_48 : memref<64x8x128xf32, #tpu.memory_space<hbm>>) dst(%arg8 : memref<64x8x128xf32, #tpu.memory_space<vmem>>)
      tpu.yield
    }) : () -> ()
    %dma_start3A = arith.constant 0 : i32
    %dma_start3A_5 = arith.constant 0 : i32
    %dma_start3A_6 = arith.constant 0 : i32
    %dma_start3A_7 = tpu.memref_slice %arg5[%dma_start3A, %dma_start3A_5, %dma_start3A_6] : memref<32768x8x128xf32, #tpu.memory_space<hbm>> -> memref<32768x8x128xf32, #tpu.memory_space<hbm>>
    tpu.enqueue_indirect_dma source(%arg8 : memref<64x8x128xf32, #tpu.memory_space<vmem>>) target(%dma_start3A_7 : memref<32768x8x128xf32, #tpu.memory_space<hbm>>) offsets(%arg6 : memref<64xi32, #tpu.memory_space<vmem>>) semaphore(%arg9 : memref<!tpu.dma_semaphore, #tpu.memory_space<semaphore_mem>>)
    %dma_start3A_8 = arith.constant 0 : i32
    %dma_start3A_9 = arith.constant 0 : i32
    %dma_start3A_10 = arith.constant 0 : i32
    %dma_start3A_11 = tpu.memref_slice %arg5[%dma_start3A_8, %dma_start3A_9, %dma_start3A_10] : memref<32768x8x128xf32, #tpu.memory_space<hbm>> -> memref<32768x8x128xf32, #tpu.memory_space<hbm>>
    tpu.enqueue_indirect_dma source(%arg8 : memref<64x8x128xf32, #tpu.memory_space<vmem>>) target(%dma_start3A_11 : memref<32768x8x128xf32, #tpu.memory_space<hbm>>) offsets(%arg7 : memref<64xi32, #tpu.memory_space<vmem>>) semaphore(%arg10 : memref<!tpu.dma_semaphore, #tpu.memory_space<semaphore_mem>>)
    %dma_wait3A = arith.constant 0 : i32
    %dma_wait3A_12 = arith.constant 0 : i32
    %dma_wait3A_13 = arith.constant 0 : i32
    %dma_wait3A_14 = tpu.memref_slice %arg5[%dma_wait3A, %dma_wait3A_12, %dma_wait3A_13] : memref<32768x8x128xf32, #tpu.memory_space<hbm>> -> memref<32768x8x128xf32, #tpu.memory_space<hbm>>
    tpu.wait_indirect_dma semaphore(%arg9 : memref<!tpu.dma_semaphore, #tpu.memory_space<semaphore_mem>>) src(%arg8 : memref<64x8x128xf32, #tpu.memory_space<vmem>>) dst(%dma_wait3A_14 : memref<32768x8x128xf32, #tpu.memory_space<hbm>>)
    %dma_wait3A_15 = arith.constant 0 : i32
    %dma_wait3A_16 = arith.constant 0 : i32
    %dma_wait3A_17 = arith.constant 0 : i32
    %dma_wait3A_18 = tpu.memref_slice %arg5[%dma_wait3A_15, %dma_wait3A_16, %dma_wait3A_17] : memref<32768x8x128xf32, #tpu.memory_space<hbm>> -> memref<32768x8x128xf32, #tpu.memory_space<hbm>>
    tpu.wait_indirect_dma semaphore(%arg10 : memref<!tpu.dma_semaphore, #tpu.memory_space<semaphore_mem>>) src(%arg8 : memref<64x8x128xf32, #tpu.memory_space<vmem>>) dst(%dma_wait3A_18 : memref<32768x8x128xf32, #tpu.memory_space<hbm>>)
    %add3A_19 = arith.constant 64 : i32
    %add3A_20 = arith.addi %mul3A_2, %add3A_19 : i32
    "tpu.region"() ({
      %run_scoped3A = tpu.sem_alloc : memref<!tpu.dma_semaphore, #tpu.memory_space<semaphore_mem>>
      %dma_start3A_37 = tpu.memref_slice %arg3[%add3A_20] : memref<4096xi32, #tpu.memory_space<hbm>> -> memref<64xi32, #tpu.memory_space<hbm>>
      %dma_start3A_38 = tpu.memref_slice %arg3[%add3A_20] : memref<4096xi32, #tpu.memory_space<hbm>> -> memref<64xi32, #tpu.memory_space<hbm>>
      tpu.enqueue_dma source(%dma_start3A_38 : memref<64xi32, #tpu.memory_space<hbm>>) target(%arg6 : memref<64xi32, #tpu.memory_space<vmem>>) target_semaphore(%run_scoped3A : memref<!tpu.dma_semaphore, #tpu.memory_space<semaphore_mem>>)
      %dma_wait3A_39 = tpu.memref_slice %arg3[%add3A_20] : memref<4096xi32, #tpu.memory_space<hbm>> -> memref<64xi32, #tpu.memory_space<hbm>>
      %dma_wait3A_40 = tpu.memref_slice %arg3[%add3A_20] : memref<4096xi32, #tpu.memory_space<hbm>> -> memref<64xi32, #tpu.memory_space<hbm>>
      tpu.wait_dma2 semaphore(%run_scoped3A : memref<!tpu.dma_semaphore, #tpu.memory_space<semaphore_mem>>) src(%dma_wait3A_40 : memref<64xi32, #tpu.memory_space<hbm>>) dst(%arg6 : memref<64xi32, #tpu.memory_space<vmem>>)
      tpu.yield
    }) : () -> ()
    "tpu.region"() ({
      %run_scoped3A = tpu.sem_alloc : memref<!tpu.dma_semaphore, #tpu.memory_space<semaphore_mem>>
      %dma_start3A_37 = tpu.memref_slice %arg4[%add3A_20] : memref<4096xi32, #tpu.memory_space<hbm>> -> memref<64xi32, #tpu.memory_space<hbm>>
      %dma_start3A_38 = tpu.memref_slice %arg4[%add3A_20] : memref<4096xi32, #tpu.memory_space<hbm>> -> memref<64xi32, #tpu.memory_space<hbm>>
      tpu.enqueue_dma source(%dma_start3A_38 : memref<64xi32, #tpu.memory_space<hbm>>) target(%arg7 : memref<64xi32, #tpu.memory_space<vmem>>) target_semaphore(%run_scoped3A : memref<!tpu.dma_semaphore, #tpu.memory_space<semaphore_mem>>)
      %dma_wait3A_39 = tpu.memref_slice %arg4[%add3A_20] : memref<4096xi32, #tpu.memory_space<hbm>> -> memref<64xi32, #tpu.memory_space<hbm>>
      %dma_wait3A_40 = tpu.memref_slice %arg4[%add3A_20] : memref<4096xi32, #tpu.memory_space<hbm>> -> memref<64xi32, #tpu.memory_space<hbm>>
      tpu.wait_dma2 semaphore(%run_scoped3A : memref<!tpu.dma_semaphore, #tpu.memory_space<semaphore_mem>>) src(%dma_wait3A_40 : memref<64xi32, #tpu.memory_space<hbm>>) dst(%arg7 : memref<64xi32, #tpu.memory_space<vmem>>)
      tpu.yield
    }) : () -> ()
    "tpu.region"() ({
      %run_scoped3A = tpu.sem_alloc : memref<!tpu.dma_semaphore, #tpu.memory_space<semaphore_mem>>
      %dma_start3A_37 = arith.constant 0 : i32
      %dma_start3A_38 = arith.constant 0 : i32
      %dma_start3A_39 = tpu.memref_slice %arg2[%add3A_20, %dma_start3A_37, %dma_start3A_38] : memref<4096x8x128xf32, #tpu.memory_space<hbm>> -> memref<64x8x128xf32, #tpu.memory_space<hbm>>
      %dma_start3A_40 = arith.constant 0 : i32
      %dma_start3A_41 = arith.constant 0 : i32
      %dma_start3A_42 = tpu.memref_slice %arg2[%add3A_20, %dma_start3A_40, %dma_start3A_41] : memref<4096x8x128xf32, #tpu.memory_space<hbm>> -> memref<64x8x128xf32, #tpu.memory_space<hbm>>
      tpu.enqueue_dma source(%dma_start3A_42 : memref<64x8x128xf32, #tpu.memory_space<hbm>>) target(%arg8 : memref<64x8x128xf32, #tpu.memory_space<vmem>>) target_semaphore(%run_scoped3A : memref<!tpu.dma_semaphore, #tpu.memory_space<semaphore_mem>>)
      %dma_wait3A_43 = arith.constant 0 : i32
      %dma_wait3A_44 = arith.constant 0 : i32
      %dma_wait3A_45 = tpu.memref_slice %arg2[%add3A_20, %dma_wait3A_43, %dma_wait3A_44] : memref<4096x8x128xf32, #tpu.memory_space<hbm>> -> memref<64x8x128xf32, #tpu.memory_space<hbm>>
      %dma_wait3A_46 = arith.constant 0 : i32
      %dma_wait3A_47 = arith.constant 0 : i32
      %dma_wait3A_48 = tpu.memref_slice %arg2[%add3A_20, %dma_wait3A_46, %dma_wait3A_47] : memref<4096x8x128xf32, #tpu.memory_space<hbm>> -> memref<64x8x128xf32, #tpu.memory_space<hbm>>
      tpu.wait_dma2 semaphore(%run_scoped3A : memref<!tpu.dma_semaphore, #tpu.memory_space<semaphore_mem>>) src(%dma_wait3A_48 : memref<64x8x128xf32, #tpu.memory_space<hbm>>) dst(%arg8 : memref<64x8x128xf32, #tpu.memory_space<vmem>>)
      tpu.yield
    }) : () -> ()
    %dma_start3A_21 = arith.constant 0 : i32
    %dma_start3A_22 = arith.constant 0 : i32
    %dma_start3A_23 = arith.constant 0 : i32
    %dma_start3A_24 = tpu.memref_slice %arg5[%dma_start3A_21, %dma_start3A_22, %dma_start3A_23] : memref<32768x8x128xf32, #tpu.memory_space<hbm>> -> memref<32768x8x128xf32, #tpu.memory_space<hbm>>
    tpu.enqueue_indirect_dma source(%arg8 : memref<64x8x128xf32, #tpu.memory_space<vmem>>) target(%dma_start3A_24 : memref<32768x8x128xf32, #tpu.memory_space<hbm>>) offsets(%arg6 : memref<64xi32, #tpu.memory_space<vmem>>) semaphore(%arg9 : memref<!tpu.dma_semaphore, #tpu.memory_space<semaphore_mem>>)
    %dma_start3A_25 = arith.constant 0 : i32
    %dma_start3A_26 = arith.constant 0 : i32
    %dma_start3A_27 = arith.constant 0 : i32
    %dma_start3A_28 = tpu.memref_slice %arg5[%dma_start3A_25, %dma_start3A_26, %dma_start3A_27] : memref<32768x8x128xf32, #tpu.memory_space<hbm>> -> memref<32768x8x128xf32, #tpu.memory_space<hbm>>
    tpu.enqueue_indirect_dma source(%arg8 : memref<64x8x128xf32, #tpu.memory_space<vmem>>) target(%dma_start3A_28 : memref<32768x8x128xf32, #tpu.memory_space<hbm>>) offsets(%arg7 : memref<64xi32, #tpu.memory_space<vmem>>) semaphore(%arg10 : memref<!tpu.dma_semaphore, #tpu.memory_space<semaphore_mem>>)
    %dma_wait3A_29 = arith.constant 0 : i32
    %dma_wait3A_30 = arith.constant 0 : i32
    %dma_wait3A_31 = arith.constant 0 : i32
    %dma_wait3A_32 = tpu.memref_slice %arg5[%dma_wait3A_29, %dma_wait3A_30, %dma_wait3A_31] : memref<32768x8x128xf32, #tpu.memory_space<hbm>> -> memref<32768x8x128xf32, #tpu.memory_space<hbm>>
    tpu.wait_indirect_dma semaphore(%arg9 : memref<!tpu.dma_semaphore, #tpu.memory_space<semaphore_mem>>) src(%arg8 : memref<64x8x128xf32, #tpu.memory_space<vmem>>) dst(%dma_wait3A_32 : memref<32768x8x128xf32, #tpu.memory_space<hbm>>)
    %dma_wait3A_33 = arith.constant 0 : i32
    %dma_wait3A_34 = arith.constant 0 : i32
    %dma_wait3A_35 = arith.constant 0 : i32
    %dma_wait3A_36 = tpu.memref_slice %arg5[%dma_wait3A_33, %dma_wait3A_34, %dma_wait3A_35] : memref<32768x8x128xf32, #tpu.memory_space<hbm>> -> memref<32768x8x128xf32, #tpu.memory_space<hbm>>
    tpu.wait_indirect_dma semaphore(%arg10 : memref<!tpu.dma_semaphore, #tpu.memory_space<semaphore_mem>>) src(%arg8 : memref<64x8x128xf32, #tpu.memory_space<vmem>>) dst(%dma_wait3A_36 : memref<32768x8x128xf32, #tpu.memory_space<hbm>>)
    return
  }
}

module attributes {stable_mosaic.version = 14 : i64} {
  func.func @_pre_kernel(%arg0: i32, %arg1: memref<512x1024xf32, #tpu.memory_space<vmem>>, %arg2: memref<1x1024xf32, #tpu.memory_space<vmem>>, %arg3: memref<1024x1024xbf16, #tpu.memory_space<vmem>>, %arg4: memref<1024x256xbf16, #tpu.memory_space<vmem>>, %arg5: memref<1024x256xbf16, #tpu.memory_space<vmem>>, %arg6: memref<16x512x64xbf16, #tpu.memory_space<vmem>>, %arg7: memref<4x512x64xbf16, #tpu.memory_space<vmem>>, %arg8: memref<4x512x64xbf16, #tpu.memory_space<vmem>>) attributes {dimension_semantics = [#tpu.dimension_semantics<arbitrary>], iteration_bounds = array<i64: 8>, scalar_prefetch = 0 : i64, scratch_operands = 0 : i64, tpu.core_type = #tpu.core_type<tc>, window_params = [{transform_indices = @transform_0, window_bounds = array<i64: 512, 1024>}, {pipeline_mode = #tpu.pipeline_mode<synchronous>, transform_indices = @transform_1, window_bounds = array<i64: 1, 1024>}, {pipeline_mode = #tpu.pipeline_mode<synchronous>, transform_indices = @transform_2, window_bounds = array<i64: 1024, 1024>}, {pipeline_mode = #tpu.pipeline_mode<synchronous>, transform_indices = @transform_3, window_bounds = array<i64: 1024, 256>}, {pipeline_mode = #tpu.pipeline_mode<synchronous>, transform_indices = @transform_4, window_bounds = array<i64: 1024, 256>}, {transform_indices = @transform_5, window_bounds = array<i64: 16, 512, 64>}, {transform_indices = @transform_6, window_bounds = array<i64: 4, 512, 64>}, {transform_indices = @transform_7, window_bounds = array<i64: 4, 512, 64>}]} {
    %get3A = arith.constant 0 : index
    %get3A_0 = arith.constant 0 : index
    %get3A_1 = vector.load %arg1[%get3A, %get3A_0] : memref<512x1024xf32, #tpu.memory_space<vmem>>, vector<512x1024xf32>
    %get3A_2 = arith.constant 0 : index
    %get3A_3 = arith.constant 0 : index
    %get3A_4 = vector.load %arg2[%get3A_2, %get3A_3] : memref<1x1024xf32, #tpu.memory_space<vmem>>, vector<1x1024xf32>
    %mul3A = arith.mulf %get3A_1, %get3A_1 : vector<512x1024xf32>
    %reduce_sum3A = arith.constant dense<0.000000e+00> : vector<512xf32>
    %reduce_sum3A_5 = vector.multi_reduction <add>, %mul3A, %reduce_sum3A [1] : vector<512x1024xf32> to vector<512xf32>
    %broadcast_in_dim3A = vector.shape_cast %reduce_sum3A_5 : vector<512xf32> to vector<512x1xf32>
    %div3A = arith.constant 1.024000e+03 : f32
    %div3A_6 = vector.broadcast %div3A : f32 to vector<512x1xf32>
    %div3A_7 = arith.divf %broadcast_in_dim3A, %div3A_6 : vector<512x1xf32>
    %add3A = arith.constant 9.99999997E-7 : f32
    %add3A_8 = vector.broadcast %add3A : f32 to vector<512x1xf32>
    %add3A_9 = arith.addf %div3A_7, %add3A_8 : vector<512x1xf32>
    %rsqrt3A = math.rsqrt %add3A_9 : vector<512x1xf32>
    %mul3A_10 = vector.broadcast %rsqrt3A : vector<512x1xf32> to vector<512x1024xf32>
    %mul3A_11 = arith.mulf %get3A_1, %mul3A_10 : vector<512x1024xf32>
    %mul3A_12 = vector.broadcast %get3A_4 : vector<1x1024xf32> to vector<512x1024xf32>
    %mul3A_13 = arith.mulf %mul3A_11, %mul3A_12 : vector<512x1024xf32>
    %convert_element_type3A = arith.truncf %mul3A_13 : vector<512x1024xf32> to vector<512x1024xbf16>
    %get3A_14 = arith.constant 0 : index
    %get3A_15 = arith.constant 0 : index
    %get3A_16 = vector.load %arg3[%get3A_14, %get3A_15] : memref<1024x1024xbf16, #tpu.memory_space<vmem>>, vector<1024x1024xbf16>
    %dot_general3A = arith.constant dense<0.000000e+00> : vector<512x1024xf32>
    %dot_general3A_17 = tpu.matmul %convert_element_type3A, %get3A_16, %dot_general3A {dimension_numbers = #tpu.dot_dimension_numbers<[1], [0], [0], [1], [0, 0, 1, 1], [], []>, transpose_lhs_hint = false} : vector<512x1024xbf16>, vector<1024x1024xbf16>, vector<512x1024xf32> -> vector<512x1024xf32>
    %convert_element_type3A_18 = arith.truncf %dot_general3A_17 : vector<512x1024xf32> to vector<512x1024xbf16>
    %get3A_19 = arith.constant 0 : index
    %get3A_20 = arith.constant 0 : index
    %get3A_21 = vector.load %arg4[%get3A_19, %get3A_20] : memref<1024x256xbf16, #tpu.memory_space<vmem>>, vector<1024x256xbf16>
    %dot_general3A_22 = arith.constant dense<0.000000e+00> : vector<512x256xf32>
    %dot_general3A_23 = tpu.matmul %convert_element_type3A, %get3A_21, %dot_general3A_22 {dimension_numbers = #tpu.dot_dimension_numbers<[1], [0], [0], [1], [0, 0, 1, 1], [], []>, transpose_lhs_hint = false} : vector<512x1024xbf16>, vector<1024x256xbf16>, vector<512x256xf32> -> vector<512x256xf32>
    %convert_element_type3A_24 = arith.truncf %dot_general3A_23 : vector<512x256xf32> to vector<512x256xbf16>
    %get3A_25 = arith.constant 0 : index
    %get3A_26 = arith.constant 0 : index
    %get3A_27 = vector.load %arg5[%get3A_25, %get3A_26] : memref<1024x256xbf16, #tpu.memory_space<vmem>>, vector<1024x256xbf16>
    %dot_general3A_28 = arith.constant dense<0.000000e+00> : vector<512x256xf32>
    %dot_general3A_29 = tpu.matmul %convert_element_type3A, %get3A_27, %dot_general3A_28 {dimension_numbers = #tpu.dot_dimension_numbers<[1], [0], [0], [1], [0, 0, 1, 1], [], []>, transpose_lhs_hint = false} : vector<512x1024xbf16>, vector<1024x256xbf16>, vector<512x256xf32> -> vector<512x256xf32>
    %convert_element_type3A_30 = arith.truncf %dot_general3A_29 : vector<512x256xf32> to vector<512x256xbf16>
    %slice3A = vector.extract_strided_slice %convert_element_type3A_18 {offsets = [0, 0], sizes = [512, 64], strides = [1, 1]} : vector<512x1024xbf16> to vector<512x64xbf16>
    %swap3A = arith.constant 0 : index
    %swap3A_31 = arith.constant 0 : index
    %swap3A_32 = arith.constant 0 : index
    %swap3A_33 = vector.load %arg6[%swap3A, %swap3A_31, %swap3A_32] : memref<16x512x64xbf16, #tpu.memory_space<vmem>>, vector<1x512x64xbf16>
    %swap3A_34 = vector.shape_cast %swap3A_33 : vector<1x512x64xbf16> to vector<512x64xbf16>
    %swap3A_35 = vector.shape_cast %slice3A : vector<512x64xbf16> to vector<1x512x64xbf16>
    tpu.vector_store %arg6[%swap3A, %swap3A_31, %swap3A_32], %swap3A_35 {strides = array<i32>} : memref<16x512x64xbf16, #tpu.memory_space<vmem>>, vector<1x512x64xbf16>,
    %slice3A_36 = vector.extract_strided_slice %convert_element_type3A_18 {offsets = [0, 64], sizes = [512, 64], strides = [1, 1]} : vector<512x1024xbf16> to vector<512x64xbf16>
    %swap3A_37 = arith.constant 1 : index
    %swap3A_38 = arith.constant 0 : index
    %swap3A_39 = arith.constant 0 : index
    %swap3A_40 = vector.load %arg6[%swap3A_37, %swap3A_38, %swap3A_39] : memref<16x512x64xbf16, #tpu.memory_space<vmem>>, vector<1x512x64xbf16>
    %swap3A_41 = vector.shape_cast %swap3A_40 : vector<1x512x64xbf16> to vector<512x64xbf16>
    %swap3A_42 = vector.shape_cast %slice3A_36 : vector<512x64xbf16> to vector<1x512x64xbf16>
    tpu.vector_store %arg6[%swap3A_37, %swap3A_38, %swap3A_39], %swap3A_42 {strides = array<i32>} : memref<16x512x64xbf16, #tpu.memory_space<vmem>>, vector<1x512x64xbf16>,
    %slice3A_43 = vector.extract_strided_slice %convert_element_type3A_18 {offsets = [0, 128], sizes = [512, 64], strides = [1, 1]} : vector<512x1024xbf16> to vector<512x64xbf16>
    %swap3A_44 = arith.constant 2 : index
    %swap3A_45 = arith.constant 0 : index
    %swap3A_46 = arith.constant 0 : index
    %swap3A_47 = vector.load %arg6[%swap3A_44, %swap3A_45, %swap3A_46] : memref<16x512x64xbf16, #tpu.memory_space<vmem>>, vector<1x512x64xbf16>
    %swap3A_48 = vector.shape_cast %swap3A_47 : vector<1x512x64xbf16> to vector<512x64xbf16>
    %swap3A_49 = vector.shape_cast %slice3A_43 : vector<512x64xbf16> to vector<1x512x64xbf16>
    tpu.vector_store %arg6[%swap3A_44, %swap3A_45, %swap3A_46], %swap3A_49 {strides = array<i32>} : memref<16x512x64xbf16, #tpu.memory_space<vmem>>, vector<1x512x64xbf16>,
    %slice3A_50 = vector.extract_strided_slice %convert_element_type3A_18 {offsets = [0, 192], sizes = [512, 64], strides = [1, 1]} : vector<512x1024xbf16> to vector<512x64xbf16>
    %swap3A_51 = arith.constant 3 : index
    %swap3A_52 = arith.constant 0 : index
    %swap3A_53 = arith.constant 0 : index
    %swap3A_54 = vector.load %arg6[%swap3A_51, %swap3A_52, %swap3A_53] : memref<16x512x64xbf16, #tpu.memory_space<vmem>>, vector<1x512x64xbf16>
    %swap3A_55 = vector.shape_cast %swap3A_54 : vector<1x512x64xbf16> to vector<512x64xbf16>
    %swap3A_56 = vector.shape_cast %slice3A_50 : vector<512x64xbf16> to vector<1x512x64xbf16>
    tpu.vector_store %arg6[%swap3A_51, %swap3A_52, %swap3A_53], %swap3A_56 {strides = array<i32>} : memref<16x512x64xbf16, #tpu.memory_space<vmem>>, vector<1x512x64xbf16>,
    %slice3A_57 = vector.extract_strided_slice %convert_element_type3A_18 {offsets = [0, 256], sizes = [512, 64], strides = [1, 1]} : vector<512x1024xbf16> to vector<512x64xbf16>
    %swap3A_58 = arith.constant 4 : index
    %swap3A_59 = arith.constant 0 : index
    %swap3A_60 = arith.constant 0 : index
    %swap3A_61 = vector.load %arg6[%swap3A_58, %swap3A_59, %swap3A_60] : memref<16x512x64xbf16, #tpu.memory_space<vmem>>, vector<1x512x64xbf16>
    %swap3A_62 = vector.shape_cast %swap3A_61 : vector<1x512x64xbf16> to vector<512x64xbf16>
    %swap3A_63 = vector.shape_cast %slice3A_57 : vector<512x64xbf16> to vector<1x512x64xbf16>
    tpu.vector_store %arg6[%swap3A_58, %swap3A_59, %swap3A_60], %swap3A_63 {strides = array<i32>} : memref<16x512x64xbf16, #tpu.memory_space<vmem>>, vector<1x512x64xbf16>,
    %slice3A_64 = vector.extract_strided_slice %convert_element_type3A_18 {offsets = [0, 320], sizes = [512, 64], strides = [1, 1]} : vector<512x1024xbf16> to vector<512x64xbf16>
    %swap3A_65 = arith.constant 5 : index
    %swap3A_66 = arith.constant 0 : index
    %swap3A_67 = arith.constant 0 : index
    %swap3A_68 = vector.load %arg6[%swap3A_65, %swap3A_66, %swap3A_67] : memref<16x512x64xbf16, #tpu.memory_space<vmem>>, vector<1x512x64xbf16>
    %swap3A_69 = vector.shape_cast %swap3A_68 : vector<1x512x64xbf16> to vector<512x64xbf16>
    %swap3A_70 = vector.shape_cast %slice3A_64 : vector<512x64xbf16> to vector<1x512x64xbf16>
    tpu.vector_store %arg6[%swap3A_65, %swap3A_66, %swap3A_67], %swap3A_70 {strides = array<i32>} : memref<16x512x64xbf16, #tpu.memory_space<vmem>>, vector<1x512x64xbf16>,
    %slice3A_71 = vector.extract_strided_slice %convert_element_type3A_18 {offsets = [0, 384], sizes = [512, 64], strides = [1, 1]} : vector<512x1024xbf16> to vector<512x64xbf16>
    %swap3A_72 = arith.constant 6 : index
    %swap3A_73 = arith.constant 0 : index
    %swap3A_74 = arith.constant 0 : index
    %swap3A_75 = vector.load %arg6[%swap3A_72, %swap3A_73, %swap3A_74] : memref<16x512x64xbf16, #tpu.memory_space<vmem>>, vector<1x512x64xbf16>
    %swap3A_76 = vector.shape_cast %swap3A_75 : vector<1x512x64xbf16> to vector<512x64xbf16>
    %swap3A_77 = vector.shape_cast %slice3A_71 : vector<512x64xbf16> to vector<1x512x64xbf16>
    tpu.vector_store %arg6[%swap3A_72, %swap3A_73, %swap3A_74], %swap3A_77 {strides = array<i32>} : memref<16x512x64xbf16, #tpu.memory_space<vmem>>, vector<1x512x64xbf16>,
    %slice3A_78 = vector.extract_strided_slice %convert_element_type3A_18 {offsets = [0, 448], sizes = [512, 64], strides = [1, 1]} : vector<512x1024xbf16> to vector<512x64xbf16>
    %swap3A_79 = arith.constant 7 : index
    %swap3A_80 = arith.constant 0 : index
    %swap3A_81 = arith.constant 0 : index
    %swap3A_82 = vector.load %arg6[%swap3A_79, %swap3A_80, %swap3A_81] : memref<16x512x64xbf16, #tpu.memory_space<vmem>>, vector<1x512x64xbf16>
    %swap3A_83 = vector.shape_cast %swap3A_82 : vector<1x512x64xbf16> to vector<512x64xbf16>
    %swap3A_84 = vector.shape_cast %slice3A_78 : vector<512x64xbf16> to vector<1x512x64xbf16>
    tpu.vector_store %arg6[%swap3A_79, %swap3A_80, %swap3A_81], %swap3A_84 {strides = array<i32>} : memref<16x512x64xbf16, #tpu.memory_space<vmem>>, vector<1x512x64xbf16>,
    %slice3A_85 = vector.extract_strided_slice %convert_element_type3A_18 {offsets = [0, 512], sizes = [512, 64], strides = [1, 1]} : vector<512x1024xbf16> to vector<512x64xbf16>
    %swap3A_86 = arith.constant 8 : index
    %swap3A_87 = arith.constant 0 : index
    %swap3A_88 = arith.constant 0 : index
    %swap3A_89 = vector.load %arg6[%swap3A_86, %swap3A_87, %swap3A_88] : memref<16x512x64xbf16, #tpu.memory_space<vmem>>, vector<1x512x64xbf16>
    %swap3A_90 = vector.shape_cast %swap3A_89 : vector<1x512x64xbf16> to vector<512x64xbf16>
    %swap3A_91 = vector.shape_cast %slice3A_85 : vector<512x64xbf16> to vector<1x512x64xbf16>
    tpu.vector_store %arg6[%swap3A_86, %swap3A_87, %swap3A_88], %swap3A_91 {strides = array<i32>} : memref<16x512x64xbf16, #tpu.memory_space<vmem>>, vector<1x512x64xbf16>,
    %slice3A_92 = vector.extract_strided_slice %convert_element_type3A_18 {offsets = [0, 576], sizes = [512, 64], strides = [1, 1]} : vector<512x1024xbf16> to vector<512x64xbf16>
    %swap3A_93 = arith.constant 9 : index
    %swap3A_94 = arith.constant 0 : index
    %swap3A_95 = arith.constant 0 : index
    %swap3A_96 = vector.load %arg6[%swap3A_93, %swap3A_94, %swap3A_95] : memref<16x512x64xbf16, #tpu.memory_space<vmem>>, vector<1x512x64xbf16>
    %swap3A_97 = vector.shape_cast %swap3A_96 : vector<1x512x64xbf16> to vector<512x64xbf16>
    %swap3A_98 = vector.shape_cast %slice3A_92 : vector<512x64xbf16> to vector<1x512x64xbf16>
    tpu.vector_store %arg6[%swap3A_93, %swap3A_94, %swap3A_95], %swap3A_98 {strides = array<i32>} : memref<16x512x64xbf16, #tpu.memory_space<vmem>>, vector<1x512x64xbf16>,
    %slice3A_99 = vector.extract_strided_slice %convert_element_type3A_18 {offsets = [0, 640], sizes = [512, 64], strides = [1, 1]} : vector<512x1024xbf16> to vector<512x64xbf16>
    %swap3A_100 = arith.constant 10 : index
    %swap3A_101 = arith.constant 0 : index
    %swap3A_102 = arith.constant 0 : index
    %swap3A_103 = vector.load %arg6[%swap3A_100, %swap3A_101, %swap3A_102] : memref<16x512x64xbf16, #tpu.memory_space<vmem>>, vector<1x512x64xbf16>
    %swap3A_104 = vector.shape_cast %swap3A_103 : vector<1x512x64xbf16> to vector<512x64xbf16>
    %swap3A_105 = vector.shape_cast %slice3A_99 : vector<512x64xbf16> to vector<1x512x64xbf16>
    tpu.vector_store %arg6[%swap3A_100, %swap3A_101, %swap3A_102], %swap3A_105 {strides = array<i32>} : memref<16x512x64xbf16, #tpu.memory_space<vmem>>, vector<1x512x64xbf16>,
    %slice3A_106 = vector.extract_strided_slice %convert_element_type3A_18 {offsets = [0, 704], sizes = [512, 64], strides = [1, 1]} : vector<512x1024xbf16> to vector<512x64xbf16>
    %swap3A_107 = arith.constant 11 : index
    %swap3A_108 = arith.constant 0 : index
    %swap3A_109 = arith.constant 0 : index
    %swap3A_110 = vector.load %arg6[%swap3A_107, %swap3A_108, %swap3A_109] : memref<16x512x64xbf16, #tpu.memory_space<vmem>>, vector<1x512x64xbf16>
    %swap3A_111 = vector.shape_cast %swap3A_110 : vector<1x512x64xbf16> to vector<512x64xbf16>
    %swap3A_112 = vector.shape_cast %slice3A_106 : vector<512x64xbf16> to vector<1x512x64xbf16>
    tpu.vector_store %arg6[%swap3A_107, %swap3A_108, %swap3A_109], %swap3A_112 {strides = array<i32>} : memref<16x512x64xbf16, #tpu.memory_space<vmem>>, vector<1x512x64xbf16>,
    %slice3A_113 = vector.extract_strided_slice %convert_element_type3A_18 {offsets = [0, 768], sizes = [512, 64], strides = [1, 1]} : vector<512x1024xbf16> to vector<512x64xbf16>
    %swap3A_114 = arith.constant 12 : index
    %swap3A_115 = arith.constant 0 : index
    %swap3A_116 = arith.constant 0 : index
    %swap3A_117 = vector.load %arg6[%swap3A_114, %swap3A_115, %swap3A_116] : memref<16x512x64xbf16, #tpu.memory_space<vmem>>, vector<1x512x64xbf16>
    %swap3A_118 = vector.shape_cast %swap3A_117 : vector<1x512x64xbf16> to vector<512x64xbf16>
    %swap3A_119 = vector.shape_cast %slice3A_113 : vector<512x64xbf16> to vector<1x512x64xbf16>
    tpu.vector_store %arg6[%swap3A_114, %swap3A_115, %swap3A_116], %swap3A_119 {strides = array<i32>} : memref<16x512x64xbf16, #tpu.memory_space<vmem>>, vector<1x512x64xbf16>,
    %slice3A_120 = vector.extract_strided_slice %convert_element_type3A_18 {offsets = [0, 832], sizes = [512, 64], strides = [1, 1]} : vector<512x1024xbf16> to vector<512x64xbf16>
    %swap3A_121 = arith.constant 13 : index
    %swap3A_122 = arith.constant 0 : index
    %swap3A_123 = arith.constant 0 : index
    %swap3A_124 = vector.load %arg6[%swap3A_121, %swap3A_122, %swap3A_123] : memref<16x512x64xbf16, #tpu.memory_space<vmem>>, vector<1x512x64xbf16>
    %swap3A_125 = vector.shape_cast %swap3A_124 : vector<1x512x64xbf16> to vector<512x64xbf16>
    %swap3A_126 = vector.shape_cast %slice3A_120 : vector<512x64xbf16> to vector<1x512x64xbf16>
    tpu.vector_store %arg6[%swap3A_121, %swap3A_122, %swap3A_123], %swap3A_126 {strides = array<i32>} : memref<16x512x64xbf16, #tpu.memory_space<vmem>>, vector<1x512x64xbf16>,
    %slice3A_127 = vector.extract_strided_slice %convert_element_type3A_18 {offsets = [0, 896], sizes = [512, 64], strides = [1, 1]} : vector<512x1024xbf16> to vector<512x64xbf16>
    %swap3A_128 = arith.constant 14 : index
    %swap3A_129 = arith.constant 0 : index
    %swap3A_130 = arith.constant 0 : index
    %swap3A_131 = vector.load %arg6[%swap3A_128, %swap3A_129, %swap3A_130] : memref<16x512x64xbf16, #tpu.memory_space<vmem>>, vector<1x512x64xbf16>
    %swap3A_132 = vector.shape_cast %swap3A_131 : vector<1x512x64xbf16> to vector<512x64xbf16>
    %swap3A_133 = vector.shape_cast %slice3A_127 : vector<512x64xbf16> to vector<1x512x64xbf16>
    tpu.vector_store %arg6[%swap3A_128, %swap3A_129, %swap3A_130], %swap3A_133 {strides = array<i32>} : memref<16x512x64xbf16, #tpu.memory_space<vmem>>, vector<1x512x64xbf16>,
    %slice3A_134 = vector.extract_strided_slice %convert_element_type3A_18 {offsets = [0, 960], sizes = [512, 64], strides = [1, 1]} : vector<512x1024xbf16> to vector<512x64xbf16>
    %swap3A_135 = arith.constant 15 : index
    %swap3A_136 = arith.constant 0 : index
    %swap3A_137 = arith.constant 0 : index
    %swap3A_138 = vector.load %arg6[%swap3A_135, %swap3A_136, %swap3A_137] : memref<16x512x64xbf16, #tpu.memory_space<vmem>>, vector<1x512x64xbf16>
    %swap3A_139 = vector.shape_cast %swap3A_138 : vector<1x512x64xbf16> to vector<512x64xbf16>
    %swap3A_140 = vector.shape_cast %slice3A_134 : vector<512x64xbf16> to vector<1x512x64xbf16>
    tpu.vector_store %arg6[%swap3A_135, %swap3A_136, %swap3A_137], %swap3A_140 {strides = array<i32>} : memref<16x512x64xbf16, #tpu.memory_space<vmem>>, vector<1x512x64xbf16>,
    %slice3A_141 = vector.extract_strided_slice %convert_element_type3A_24 {offsets = [0, 0], sizes = [512, 64], strides = [1, 1]} : vector<512x256xbf16> to vector<512x64xbf16>
    %swap3A_142 = arith.constant 0 : index
    %swap3A_143 = arith.constant 0 : index
    %swap3A_144 = arith.constant 0 : index
    %swap3A_145 = vector.load %arg7[%swap3A_142, %swap3A_143, %swap3A_144] : memref<4x512x64xbf16, #tpu.memory_space<vmem>>, vector<1x512x64xbf16>
    %swap3A_146 = vector.shape_cast %swap3A_145 : vector<1x512x64xbf16> to vector<512x64xbf16>
    %swap3A_147 = vector.shape_cast %slice3A_141 : vector<512x64xbf16> to vector<1x512x64xbf16>
    tpu.vector_store %arg7[%swap3A_142, %swap3A_143, %swap3A_144], %swap3A_147 {strides = array<i32>} : memref<4x512x64xbf16, #tpu.memory_space<vmem>>, vector<1x512x64xbf16>,
    %slice3A_148 = vector.extract_strided_slice %convert_element_type3A_30 {offsets = [0, 0], sizes = [512, 64], strides = [1, 1]} : vector<512x256xbf16> to vector<512x64xbf16>
    %swap3A_149 = arith.constant 0 : index
    %swap3A_150 = arith.constant 0 : index
    %swap3A_151 = arith.constant 0 : index
    %swap3A_152 = vector.load %arg8[%swap3A_149, %swap3A_150, %swap3A_151] : memref<4x512x64xbf16, #tpu.memory_space<vmem>>, vector<1x512x64xbf16>
    %swap3A_153 = vector.shape_cast %swap3A_152 : vector<1x512x64xbf16> to vector<512x64xbf16>
    %swap3A_154 = vector.shape_cast %slice3A_148 : vector<512x64xbf16> to vector<1x512x64xbf16>
    tpu.vector_store %arg8[%swap3A_149, %swap3A_150, %swap3A_151], %swap3A_154 {strides = array<i32>} : memref<4x512x64xbf16, #tpu.memory_space<vmem>>, vector<1x512x64xbf16>,
    %slice3A_155 = vector.extract_strided_slice %convert_element_type3A_24 {offsets = [0, 64], sizes = [512, 64], strides = [1, 1]} : vector<512x256xbf16> to vector<512x64xbf16>
    %swap3A_156 = arith.constant 1 : index
    %swap3A_157 = arith.constant 0 : index
    %swap3A_158 = arith.constant 0 : index
    %swap3A_159 = vector.load %arg7[%swap3A_156, %swap3A_157, %swap3A_158] : memref<4x512x64xbf16, #tpu.memory_space<vmem>>, vector<1x512x64xbf16>
    %swap3A_160 = vector.shape_cast %swap3A_159 : vector<1x512x64xbf16> to vector<512x64xbf16>
    %swap3A_161 = vector.shape_cast %slice3A_155 : vector<512x64xbf16> to vector<1x512x64xbf16>
    tpu.vector_store %arg7[%swap3A_156, %swap3A_157, %swap3A_158], %swap3A_161 {strides = array<i32>} : memref<4x512x64xbf16, #tpu.memory_space<vmem>>, vector<1x512x64xbf16>,
    %slice3A_162 = vector.extract_strided_slice %convert_element_type3A_30 {offsets = [0, 64], sizes = [512, 64], strides = [1, 1]} : vector<512x256xbf16> to vector<512x64xbf16>
    %swap3A_163 = arith.constant 1 : index
    %swap3A_164 = arith.constant 0 : index
    %swap3A_165 = arith.constant 0 : index
    %swap3A_166 = vector.load %arg8[%swap3A_163, %swap3A_164, %swap3A_165] : memref<4x512x64xbf16, #tpu.memory_space<vmem>>, vector<1x512x64xbf16>
    %swap3A_167 = vector.shape_cast %swap3A_166 : vector<1x512x64xbf16> to vector<512x64xbf16>
    %swap3A_168 = vector.shape_cast %slice3A_162 : vector<512x64xbf16> to vector<1x512x64xbf16>
    tpu.vector_store %arg8[%swap3A_163, %swap3A_164, %swap3A_165], %swap3A_168 {strides = array<i32>} : memref<4x512x64xbf16, #tpu.memory_space<vmem>>, vector<1x512x64xbf16>,
    %slice3A_169 = vector.extract_strided_slice %convert_element_type3A_24 {offsets = [0, 128], sizes = [512, 64], strides = [1, 1]} : vector<512x256xbf16> to vector<512x64xbf16>
    %swap3A_170 = arith.constant 2 : index
    %swap3A_171 = arith.constant 0 : index
    %swap3A_172 = arith.constant 0 : index
    %swap3A_173 = vector.load %arg7[%swap3A_170, %swap3A_171, %swap3A_172] : memref<4x512x64xbf16, #tpu.memory_space<vmem>>, vector<1x512x64xbf16>
    %swap3A_174 = vector.shape_cast %swap3A_173 : vector<1x512x64xbf16> to vector<512x64xbf16>
    %swap3A_175 = vector.shape_cast %slice3A_169 : vector<512x64xbf16> to vector<1x512x64xbf16>
    tpu.vector_store %arg7[%swap3A_170, %swap3A_171, %swap3A_172], %swap3A_175 {strides = array<i32>} : memref<4x512x64xbf16, #tpu.memory_space<vmem>>, vector<1x512x64xbf16>,
    %slice3A_176 = vector.extract_strided_slice %convert_element_type3A_30 {offsets = [0, 128], sizes = [512, 64], strides = [1, 1]} : vector<512x256xbf16> to vector<512x64xbf16>
    %swap3A_177 = arith.constant 2 : index
    %swap3A_178 = arith.constant 0 : index
    %swap3A_179 = arith.constant 0 : index
    %swap3A_180 = vector.load %arg8[%swap3A_177, %swap3A_178, %swap3A_179] : memref<4x512x64xbf16, #tpu.memory_space<vmem>>, vector<1x512x64xbf16>
    %swap3A_181 = vector.shape_cast %swap3A_180 : vector<1x512x64xbf16> to vector<512x64xbf16>
    %swap3A_182 = vector.shape_cast %slice3A_176 : vector<512x64xbf16> to vector<1x512x64xbf16>
    tpu.vector_store %arg8[%swap3A_177, %swap3A_178, %swap3A_179], %swap3A_182 {strides = array<i32>} : memref<4x512x64xbf16, #tpu.memory_space<vmem>>, vector<1x512x64xbf16>,
    %slice3A_183 = vector.extract_strided_slice %convert_element_type3A_24 {offsets = [0, 192], sizes = [512, 64], strides = [1, 1]} : vector<512x256xbf16> to vector<512x64xbf16>
    %swap3A_184 = arith.constant 3 : index
    %swap3A_185 = arith.constant 0 : index
    %swap3A_186 = arith.constant 0 : index
    %swap3A_187 = vector.load %arg7[%swap3A_184, %swap3A_185, %swap3A_186] : memref<4x512x64xbf16, #tpu.memory_space<vmem>>, vector<1x512x64xbf16>
    %swap3A_188 = vector.shape_cast %swap3A_187 : vector<1x512x64xbf16> to vector<512x64xbf16>
    %swap3A_189 = vector.shape_cast %slice3A_183 : vector<512x64xbf16> to vector<1x512x64xbf16>
    tpu.vector_store %arg7[%swap3A_184, %swap3A_185, %swap3A_186], %swap3A_189 {strides = array<i32>} : memref<4x512x64xbf16, #tpu.memory_space<vmem>>, vector<1x512x64xbf16>,
    %slice3A_190 = vector.extract_strided_slice %convert_element_type3A_30 {offsets = [0, 192], sizes = [512, 64], strides = [1, 1]} : vector<512x256xbf16> to vector<512x64xbf16>
    %swap3A_191 = arith.constant 3 : index
    %swap3A_192 = arith.constant 0 : index
    %swap3A_193 = arith.constant 0 : index
    %swap3A_194 = vector.load %arg8[%swap3A_191, %swap3A_192, %swap3A_193] : memref<4x512x64xbf16, #tpu.memory_space<vmem>>, vector<1x512x64xbf16>
    %swap3A_195 = vector.shape_cast %swap3A_194 : vector<1x512x64xbf16> to vector<512x64xbf16>
    %swap3A_196 = vector.shape_cast %slice3A_190 : vector<512x64xbf16> to vector<1x512x64xbf16>
    tpu.vector_store %arg8[%swap3A_191, %swap3A_192, %swap3A_193], %swap3A_196 {strides = array<i32>} : memref<4x512x64xbf16, #tpu.memory_space<vmem>>, vector<1x512x64xbf16>,
    return
  }
  func.func @transform_0(%arg0: i32) -> (i32, i32) {
    %c0_i32 = arith.constant 0 : i32
    %c0_i32_0 = arith.constant 0 : i32
    return %arg0, %c0_i32 : i32, i32
  }
  func.func @transform_1(%arg0: i32) -> (i32, i32) {
    %c0_i32 = arith.constant 0 : i32
    %c0_i32_0 = arith.constant 0 : i32
    %c0_i32_1 = arith.constant 0 : i32
    return %c0_i32, %c0_i32_0 : i32, i32
  }
  func.func @transform_2(%arg0: i32) -> (i32, i32) {
    %c0_i32 = arith.constant 0 : i32
    %c0_i32_0 = arith.constant 0 : i32
    %c0_i32_1 = arith.constant 0 : i32
    return %c0_i32, %c0_i32_0 : i32, i32
  }
  func.func @transform_3(%arg0: i32) -> (i32, i32) {
    %c0_i32 = arith.constant 0 : i32
    %c0_i32_0 = arith.constant 0 : i32
    %c0_i32_1 = arith.constant 0 : i32
    return %c0_i32, %c0_i32_0 : i32, i32
  }
  func.func @transform_4(%arg0: i32) -> (i32, i32) {
    %c0_i32 = arith.constant 0 : i32
    %c0_i32_0 = arith.constant 0 : i32
    %c0_i32_1 = arith.constant 0 : i32
    return %c0_i32, %c0_i32_0 : i32, i32
  }
  func.func @transform_5(%arg0: i32) -> (i32, i32, i32) {
    %c0_i32 = arith.constant 0 : i32
    %c0_i32_0 = arith.constant 0 : i32
    %c0_i32_1 = arith.constant 0 : i32
    return %c0_i32, %arg0, %c0_i32_0 : i32, i32, i32
  }
  func.func @transform_6(%arg0: i32) -> (i32, i32, i32) {
    %c0_i32 = arith.constant 0 : i32
    %c0_i32_0 = arith.constant 0 : i32
    %c0_i32_1 = arith.constant 0 : i32
    return %c0_i32, %arg0, %c0_i32_0 : i32, i32, i32
  }
  func.func @transform_7(%arg0: i32) -> (i32, i32, i32) {
    %c0_i32 = arith.constant 0 : i32
    %c0_i32_0 = arith.constant 0 : i32
    %c0_i32_1 = arith.constant 0 : i32
    return %c0_i32, %arg0, %c0_i32_0 : i32, i32, i32
  }
}

module attributes {stable_mosaic.version = 14 : i64} {
  func.func @_flash_kernel(%arg0: i32, %arg1: i32, %arg2: i32, %arg3: memref<10xi32, #tpu.memory_space<smem>>, %arg4: memref<10xi32, #tpu.memory_space<smem>>, %arg5: memref<4x512x64xbf16, #tpu.memory_space<vmem>>, %arg6: memref<1x512x64xbf16, #tpu.memory_space<vmem>>, %arg7: memref<1x512x64xbf16, #tpu.memory_space<vmem>>, %arg8: memref<1x2048x64xf32, #tpu.memory_space<vmem>>, %arg9: memref<1x2048x64xf32, #tpu.memory_space<vmem>>, %arg10: memref<512x64xf32, #tpu.memory_space<vmem>>, %arg11: memref<512x64xf32, #tpu.memory_space<vmem>>, %arg12: memref<2048x512xf32, #tpu.memory_space<vmem>>, %arg13: memref<4x512x64xf32, #tpu.memory_space<vmem>>, %arg14: memref<2048x64xf32, #tpu.memory_space<vmem>>, %arg15: memref<2048x128xf32, #tpu.memory_space<vmem>>, %arg16: memref<2048x128xf32, #tpu.memory_space<vmem>>) attributes {dimension_semantics = [#tpu.dimension_semantics<parallel>, #tpu.dimension_semantics<parallel>, #tpu.dimension_semantics<arbitrary>], iteration_bounds = array<i64: 2, 4, 10>, scalar_prefetch = 2 : i64, scratch_operands = 3 : i64, tpu.core_type = #tpu.core_type<tc>, window_params = [{transform_indices = @transform_0, window_bounds = array<i64: 4, 512, 64>}, {transform_indices = @transform_1, window_bounds = array<i64: 1, 512, 64>}, {transform_indices = @transform_2, window_bounds = array<i64: 1, 512, 64>}, {transform_indices = @transform_3, window_bounds = array<i64: 1, 2048, 64>}, {transform_indices = @transform_4, window_bounds = array<i64: 1, 2048, 64>}, {transform_indices = @transform_5, window_bounds = array<i64: 512, 64>}, {transform_indices = @transform_6, window_bounds = array<i64: 512, 64>}, {pipeline_mode = #tpu.pipeline_mode<synchronous>, transform_indices = @transform_7, window_bounds = array<i64: 2048, 512>}, {transform_indices = @transform_8, window_bounds = array<i64: 4, 512, 64>}]} {
    %get3A = arith.index_cast %arg2 : i32 to index
    %get3A_0 = memref.load %arg3[%get3A] : memref<10xi32, #tpu.memory_space<smem>>
    %get3A_1 = arith.index_cast %arg2 : i32 to index
    %get3A_2 = memref.load %arg4[%get3A_1] : memref<10xi32, #tpu.memory_space<smem>>
    %eq3A = arith.constant 0 : i32
    %eq3A_3 = arith.cmpi eq, %get3A_2, %eq3A : i32
    %convert_element_type3A = arith.extui %eq3A_3 : i1 to i32
    %cond3A = arith.constant 0 : i32
    %cond3A_4 = arith.cmpi ne, %convert_element_type3A, %cond3A : i32
    scf.if %cond3A_4 {
      %broadcast_in_dim3A_104 = arith.constant -1.000000e+30 : f32
      %broadcast_in_dim3A_105 = vector.broadcast %broadcast_in_dim3A_104 : f32 to vector<2048x128xf32>
      %swap3A_106 = arith.constant 0 : index
      %swap3A_107 = arith.constant 0 : index
      %swap3A_108 = vector.load %arg15[%swap3A_106, %swap3A_107] : memref<2048x128xf32, #tpu.memory_space<vmem>>, vector<2048x128xf32>
      tpu.vector_store %arg15[%swap3A_106, %swap3A_107], %broadcast_in_dim3A_105 {strides = array<i32>} : memref<2048x128xf32, #tpu.memory_space<vmem>>, vector<2048x128xf32>,
      %broadcast_in_dim3A_109 = arith.constant 0.000000e+00 : f32
      %broadcast_in_dim3A_110 = vector.broadcast %broadcast_in_dim3A_109 : f32 to vector<2048x128xf32>
      %swap3A_111 = arith.constant 0 : index
      %swap3A_112 = arith.constant 0 : index
      %swap3A_113 = vector.load %arg16[%swap3A_111, %swap3A_112] : memref<2048x128xf32, #tpu.memory_space<vmem>>, vector<2048x128xf32>
      tpu.vector_store %arg16[%swap3A_111, %swap3A_112], %broadcast_in_dim3A_110 {strides = array<i32>} : memref<2048x128xf32, #tpu.memory_space<vmem>>, vector<2048x128xf32>,
      %broadcast_in_dim3A_114 = arith.constant 0.000000e+00 : f32
      %broadcast_in_dim3A_115 = vector.broadcast %broadcast_in_dim3A_114 : f32 to vector<2048x64xf32>
      %swap3A_116 = arith.constant 0 : index
      %swap3A_117 = arith.constant 0 : index
      %swap3A_118 = vector.load %arg14[%swap3A_116, %swap3A_117] : memref<2048x64xf32, #tpu.memory_space<vmem>>, vector<2048x64xf32>
      tpu.vector_store %arg14[%swap3A_116, %swap3A_117], %broadcast_in_dim3A_115 {strides = array<i32>} : memref<2048x64xf32, #tpu.memory_space<vmem>>, vector<2048x64xf32>,
    } else {
    }
    %get3A_5 = arith.constant 0 : index
    %get3A_6 = arith.constant 0 : index
    %get3A_7 = arith.constant 0 : index
    %get3A_8 = vector.load %arg5[%get3A_5, %get3A_6, %get3A_7] : memref<4x512x64xbf16, #tpu.memory_space<vmem>>, vector<4x512x64xbf16>
    %reshape3A = vector.shape_cast %get3A_8 : vector<4x512x64xbf16> to vector<2048x64xbf16>
    %convert_element_type3A_9 = arith.extf %reshape3A : vector<2048x64xbf16> to vector<2048x64xf32>
    %get3A_10 = arith.constant 0 : index
    %get3A_11 = arith.constant 0 : index
    %get3A_12 = arith.constant 0 : index
    %get3A_13 = vector.load %arg8[%get3A_10, %get3A_11, %get3A_12] : memref<1x2048x64xf32, #tpu.memory_space<vmem>>, vector<1x2048x64xf32>
    %get3A_14 = vector.shape_cast %get3A_13 : vector<1x2048x64xf32> to vector<2048x64xf32>
    %get3A_15 = arith.constant 0 : index
    %get3A_16 = arith.constant 0 : index
    %get3A_17 = arith.constant 0 : index
    %get3A_18 = vector.load %arg9[%get3A_15, %get3A_16, %get3A_17] : memref<1x2048x64xf32, #tpu.memory_space<vmem>>, vector<1x2048x64xf32>
    %get3A_19 = vector.shape_cast %get3A_18 : vector<1x2048x64xf32> to vector<2048x64xf32>
    %slice3A = vector.extract_strided_slice %convert_element_type3A_9 {offsets = [0, 0], sizes = [2048, 32], strides = [1, 1]} : vector<2048x64xf32> to vector<2048x32xf32>
    %slice3A_20 = vector.extract_strided_slice %convert_element_type3A_9 {offsets = [0, 32], sizes = [2048, 32], strides = [1, 1]} : vector<2048x64xf32> to vector<2048x32xf32>
    %neg3A = arith.constant 0.000000e+00 : f32
    %neg3A_21 = vector.broadcast %neg3A : f32 to vector<2048x32xf32>
    %neg3A_22 = arith.subf %neg3A_21, %slice3A_20 : vector<2048x32xf32>
    %concatenate3A = tpu.concatenate %neg3A_22, %slice3A in 1 : vector<2048x32xf32>, vector<2048x32xf32> -> vector<2048x64xf32>
    %mul3A = arith.mulf %convert_element_type3A_9, %get3A_14 : vector<2048x64xf32>
    %mul3A_23 = arith.mulf %concatenate3A, %get3A_19 : vector<2048x64xf32>
    %add3A = arith.addf %mul3A, %mul3A_23 : vector<2048x64xf32>
    %get3A_24 = arith.constant 0 : index
    %get3A_25 = arith.constant 0 : index
    %get3A_26 = arith.constant 0 : index
    %get3A_27 = vector.load %arg6[%get3A_24, %get3A_25, %get3A_26] : memref<1x512x64xbf16, #tpu.memory_space<vmem>>, vector<1x512x64xbf16>
    %get3A_28 = vector.shape_cast %get3A_27 : vector<1x512x64xbf16> to vector<512x64xbf16>
    %convert_element_type3A_29 = arith.extf %get3A_28 : vector<512x64xbf16> to vector<512x64xf32>
    %get3A_30 = arith.constant 0 : index
    %get3A_31 = arith.constant 0 : index
    %get3A_32 = vector.load %arg10[%get3A_30, %get3A_31] : memref<512x64xf32, #tpu.memory_space<vmem>>, vector<512x64xf32>
    %get3A_33 = arith.constant 0 : index
    %get3A_34 = arith.constant 0 : index
    %get3A_35 = vector.load %arg11[%get3A_33, %get3A_34] : memref<512x64xf32, #tpu.memory_space<vmem>>, vector<512x64xf32>
    %slice3A_36 = vector.extract_strided_slice %convert_element_type3A_29 {offsets = [0, 0], sizes = [512, 32], strides = [1, 1]} : vector<512x64xf32> to vector<512x32xf32>
    %slice3A_37 = vector.extract_strided_slice %convert_element_type3A_29 {offsets = [0, 32], sizes = [512, 32], strides = [1, 1]} : vector<512x64xf32> to vector<512x32xf32>
    %neg3A_38 = arith.constant 0.000000e+00 : f32
    %neg3A_39 = vector.broadcast %neg3A_38 : f32 to vector<512x32xf32>
    %neg3A_40 = arith.subf %neg3A_39, %slice3A_37 : vector<512x32xf32>
    %concatenate3A_41 = tpu.concatenate %neg3A_40, %slice3A_36 in 1 : vector<512x32xf32>, vector<512x32xf32> -> vector<512x64xf32>
    %mul3A_42 = arith.mulf %convert_element_type3A_29, %get3A_32 : vector<512x64xf32>
    %mul3A_43 = arith.mulf %concatenate3A_41, %get3A_35 : vector<512x64xf32>
    %add3A_44 = arith.addf %mul3A_42, %mul3A_43 : vector<512x64xf32>
    %mul3A_45 = arith.constant 1.250000e-01 : f32
    %mul3A_46 = vector.broadcast %mul3A_45 : f32 to vector<2048x64xf32>
    %mul3A_47 = arith.mulf %add3A, %mul3A_46 : vector<2048x64xf32>
    %convert_element_type3A_48 = arith.truncf %mul3A_47 : vector<2048x64xf32> to vector<2048x64xbf16>
    %convert_element_type3A_49 = arith.truncf %add3A_44 : vector<512x64xf32> to vector<512x64xbf16>
    %dot_general3A = arith.constant dense<0.000000e+00> : vector<2048x512xf32>
    %dot_general3A_50 = tpu.matmul %convert_element_type3A_48, %convert_element_type3A_49, %dot_general3A {dimension_numbers = #tpu.dot_dimension_numbers<[1], [1], [0], [0], [0, 0, 1, 0], [], []>, transpose_lhs_hint = false} : vector<2048x64xbf16>, vector<512x64xbf16>, vector<2048x512xf32> -> vector<2048x512xf32>
    %eq3A_51 = arith.cmpi eq, %get3A_2, %get3A_0 : i32
    %convert_element_type3A_52 = arith.extui %eq3A_51 : i1 to i32
    %convert_element_type3A_53 = arith.sitofp %convert_element_type3A_52 : i32 to f32
    %get3A_54 = arith.constant 0 : index
    %get3A_55 = arith.constant 0 : index
    %get3A_56 = vector.load %arg12[%get3A_54, %get3A_55] : memref<2048x512xf32, #tpu.memory_space<vmem>>, vector<2048x512xf32>
    %mul3A_57 = vector.broadcast %convert_element_type3A_53 : f32 to vector<2048x512xf32>
    %mul3A_58 = arith.mulf %get3A_56, %mul3A_57 : vector<2048x512xf32>
    %add3A_59 = arith.addf %dot_general3A_50, %mul3A_58 : vector<2048x512xf32>
    %get3A_60 = arith.constant 0 : index
    %get3A_61 = arith.constant 0 : index
    %get3A_62 = vector.load %arg15[%get3A_60, %get3A_61] : memref<2048x128xf32, #tpu.memory_space<vmem>>, vector<2048x128xf32>
    %get3A_63 = arith.constant 0 : index
    %get3A_64 = arith.constant 0 : index
    %get3A_65 = vector.load %arg16[%get3A_63, %get3A_64] : memref<2048x128xf32, #tpu.memory_space<vmem>>, vector<2048x128xf32>
    %reduce_max3A = arith.constant dense<0xFF800000> : vector<2048xf32>
    %reduce_max3A_66 = vector.multi_reduction <maximumf>, %add3A_59, %reduce_max3A [1] : vector<2048x512xf32> to vector<2048xf32>
    %broadcast_in_dim3A = vector.shape_cast %reduce_max3A_66 : vector<2048xf32> to vector<2048x1xf32>
    %max3A = vector.broadcast %broadcast_in_dim3A : vector<2048x1xf32> to vector<2048x128xf32>
    %max3A_67 = arith.maximumf %get3A_62, %max3A : vector<2048x128xf32>
    %sub3A = arith.subf %get3A_62, %max3A_67 : vector<2048x128xf32>
    %exp3A = math.exp %sub3A : vector<2048x128xf32>
    %slice3A_68 = vector.extract_strided_slice %max3A_67 {offsets = [0, 0], sizes = [2048, 1], strides = [1, 1]} : vector<2048x128xf32> to vector<2048x1xf32>
    %sub3A_69 = vector.broadcast %slice3A_68 : vector<2048x1xf32> to vector<2048x512xf32>
    %sub3A_70 = arith.subf %add3A_59, %sub3A_69 : vector<2048x512xf32>
    %exp3A_71 = math.exp %sub3A_70 : vector<2048x512xf32>
    %mul3A_72 = arith.mulf %exp3A, %get3A_65 : vector<2048x128xf32>
    %reduce_sum3A = arith.constant dense<0.000000e+00> : vector<2048xf32>
    %reduce_sum3A_73 = vector.multi_reduction <add>, %exp3A_71, %reduce_sum3A [1] : vector<2048x512xf32> to vector<2048xf32>
    %broadcast_in_dim3A_74 = vector.shape_cast %reduce_sum3A_73 : vector<2048xf32> to vector<2048x1xf32>
    %add3A_75 = vector.broadcast %broadcast_in_dim3A_74 : vector<2048x1xf32> to vector<2048x128xf32>
    %add3A_76 = arith.addf %mul3A_72, %add3A_75 : vector<2048x128xf32>
    %swap3A = arith.constant 0 : index
    %swap3A_77 = arith.constant 0 : index
    %swap3A_78 = vector.load %arg16[%swap3A, %swap3A_77] : memref<2048x128xf32, #tpu.memory_space<vmem>>, vector<2048x128xf32>
    tpu.vector_store %arg16[%swap3A, %swap3A_77], %add3A_76 {strides = array<i32>} : memref<2048x128xf32, #tpu.memory_space<vmem>>, vector<2048x128xf32>,
    %swap3A_79 = arith.constant 0 : index
    %swap3A_80 = arith.constant 0 : index
    %swap3A_81 = vector.load %arg15[%swap3A_79, %swap3A_80] : memref<2048x128xf32, #tpu.memory_space<vmem>>, vector<2048x128xf32>
    tpu.vector_store %arg15[%swap3A_79, %swap3A_80], %max3A_67 {strides = array<i32>} : memref<2048x128xf32, #tpu.memory_space<vmem>>, vector<2048x128xf32>,
    %convert_element_type3A_82 = arith.truncf %exp3A_71 : vector<2048x512xf32> to vector<2048x512xbf16>
    %get3A_83 = arith.constant 0 : index
    %get3A_84 = arith.constant 0 : index
    %get3A_85 = arith.constant 0 : index
    %get3A_86 = vector.load %arg7[%get3A_83, %get3A_84, %get3A_85] : memref<1x512x64xbf16, #tpu.memory_space<vmem>>, vector<1x512x64xbf16>
    %get3A_87 = vector.shape_cast %get3A_86 : vector<1x512x64xbf16> to vector<512x64xbf16>
    %dot_general3A_88 = arith.constant dense<0.000000e+00> : vector<2048x64xf32>
    %dot_general3A_89 = tpu.matmul %convert_element_type3A_82, %get3A_87, %dot_general3A_88 {dimension_numbers = #tpu.dot_dimension_numbers<[1], [0], [0], [1], [0, 0, 1, 1], [], []>, transpose_lhs_hint = false} : vector<2048x512xbf16>, vector<512x64xbf16>, vector<2048x64xf32> -> vector<2048x64xf32>
    %get3A_90 = arith.constant 0 : index
    %get3A_91 = arith.constant 0 : index
    %get3A_92 = vector.load %arg14[%get3A_90, %get3A_91] : memref<2048x64xf32, #tpu.memory_space<vmem>>, vector<2048x64xf32>
    %slice3A_93 = vector.extract_strided_slice %exp3A {offsets = [0, 0], sizes = [2048, 1], strides = [1, 1]} : vector<2048x128xf32> to vector<2048x1xf32>
    %mul3A_94 = vector.broadcast %slice3A_93 : vector<2048x1xf32> to vector<2048x64xf32>
    %mul3A_95 = arith.mulf %get3A_92, %mul3A_94 : vector<2048x64xf32>
    %add3A_96 = arith.addf %mul3A_95, %dot_general3A_89 : vector<2048x64xf32>
    %swap3A_97 = arith.constant 0 : index
    %swap3A_98 = arith.constant 0 : index
    %swap3A_99 = vector.load %arg14[%swap3A_97, %swap3A_98] : memref<2048x64xf32, #tpu.memory_space<vmem>>, vector<2048x64xf32>
    tpu.vector_store %arg14[%swap3A_97, %swap3A_98], %add3A_96 {strides = array<i32>} : memref<2048x64xf32, #tpu.memory_space<vmem>>, vector<2048x64xf32>,
    %eq3A_100 = arith.cmpi eq, %get3A_2, %get3A_0 : i32
    %convert_element_type3A_101 = arith.extui %eq3A_100 : i1 to i32
    %cond3A_102 = arith.constant 0 : i32
    %cond3A_103 = arith.cmpi ne, %convert_element_type3A_101, %cond3A_102 : i32
    scf.if %cond3A_103 {
      %get3A_104 = arith.constant 0 : index
      %get3A_105 = arith.constant 0 : index
      %get3A_106 = vector.load %arg14[%get3A_104, %get3A_105] : memref<2048x64xf32, #tpu.memory_space<vmem>>, vector<2048x64xf32>
      %get3A_107 = arith.constant 0 : index
      %get3A_108 = arith.constant 0 : index
      %get3A_109 = vector.load %arg16[%get3A_107, %get3A_108] : memref<2048x128xf32, #tpu.memory_space<vmem>>, vector<2048x1xf32>
      %div3A = vector.broadcast %get3A_109 : vector<2048x1xf32> to vector<2048x64xf32>
      %div3A_110 = arith.divf %get3A_106, %div3A : vector<2048x64xf32>
      %reshape3A_111 = vector.shape_cast %div3A_110 : vector<2048x64xf32> to vector<4x512x64xf32>
      %swap3A_112 = arith.constant 0 : index
      %swap3A_113 = arith.constant 0 : index
      %swap3A_114 = arith.constant 0 : index
      %swap3A_115 = vector.load %arg13[%swap3A_112, %swap3A_113, %swap3A_114] : memref<4x512x64xf32, #tpu.memory_space<vmem>>, vector<4x512x64xf32>
      tpu.vector_store %arg13[%swap3A_112, %swap3A_113, %swap3A_114], %reshape3A_111 {strides = array<i32>} : memref<4x512x64xf32, #tpu.memory_space<vmem>>, vector<4x512x64xf32>,
    } else {
    }
    return
  }
  func.func @transform_0(%arg0: i32, %arg1: i32, %arg2: i32, %arg3: memref<10xi32, #tpu.memory_space<smem>>, %arg4: memref<10xi32, #tpu.memory_space<smem>>) -> (i32, i32, i32) {
    %mul3A = arith.constant 4 : i32
    %mul3A_0 = arith.muli %arg0, %mul3A : i32
    %get3A = arith.index_cast %arg2 : i32 to index
    %get3A_1 = memref.load %arg3[%get3A] : memref<10xi32, #tpu.memory_space<smem>>
    %add3A = arith.addi %mul3A_0, %get3A_1 : i32
    %c0_i32 = arith.constant 0 : i32
    %c0_i32_2 = arith.constant 0 : i32
    return %arg1, %add3A, %c0_i32 : i32, i32, i32
  }
  func.func @transform_1(%arg0: i32, %arg1: i32, %arg2: i32, %arg3: memref<10xi32, #tpu.memory_space<smem>>, %arg4: memref<10xi32, #tpu.memory_space<smem>>) -> (i32, i32, i32) {
    %mul3A = arith.constant 4 : i32
    %mul3A_0 = arith.muli %arg0, %mul3A : i32
    %get3A = arith.index_cast %arg2 : i32 to index
    %get3A_1 = memref.load %arg4[%get3A] : memref<10xi32, #tpu.memory_space<smem>>
    %add3A = arith.addi %mul3A_0, %get3A_1 : i32
    %c0_i32 = arith.constant 0 : i32
    %c0_i32_2 = arith.constant 0 : i32
    return %arg1, %add3A, %c0_i32 : i32, i32, i32
  }
  func.func @transform_2(%arg0: i32, %arg1: i32, %arg2: i32, %arg3: memref<10xi32, #tpu.memory_space<smem>>, %arg4: memref<10xi32, #tpu.memory_space<smem>>) -> (i32, i32, i32) {
    %mul3A = arith.constant 4 : i32
    %mul3A_0 = arith.muli %arg0, %mul3A : i32
    %get3A = arith.index_cast %arg2 : i32 to index
    %get3A_1 = memref.load %arg4[%get3A] : memref<10xi32, #tpu.memory_space<smem>>
    %add3A = arith.addi %mul3A_0, %get3A_1 : i32
    %c0_i32 = arith.constant 0 : i32
    %c0_i32_2 = arith.constant 0 : i32
    return %arg1, %add3A, %c0_i32 : i32, i32, i32
  }
  func.func @transform_3(%arg0: i32, %arg1: i32, %arg2: i32, %arg3: memref<10xi32, #tpu.memory_space<smem>>, %arg4: memref<10xi32, #tpu.memory_space<smem>>) -> (i32, i32, i32) {
    %get3A = arith.index_cast %arg2 : i32 to index
    %get3A_0 = memref.load %arg3[%get3A] : memref<10xi32, #tpu.memory_space<smem>>
    %c0_i32 = arith.constant 0 : i32
    %c0_i32_1 = arith.constant 0 : i32
    %c0_i32_2 = arith.constant 0 : i32
    return %get3A_0, %c0_i32, %c0_i32_1 : i32, i32, i32
  }
  func.func @transform_4(%arg0: i32, %arg1: i32, %arg2: i32, %arg3: memref<10xi32, #tpu.memory_space<smem>>, %arg4: memref<10xi32, #tpu.memory_space<smem>>) -> (i32, i32, i32) {
    %get3A = arith.index_cast %arg2 : i32 to index
    %get3A_0 = memref.load %arg3[%get3A] : memref<10xi32, #tpu.memory_space<smem>>
    %c0_i32 = arith.constant 0 : i32
    %c0_i32_1 = arith.constant 0 : i32
    %c0_i32_2 = arith.constant 0 : i32
    return %get3A_0, %c0_i32, %c0_i32_1 : i32, i32, i32
  }
  func.func @transform_5(%arg0: i32, %arg1: i32, %arg2: i32, %arg3: memref<10xi32, #tpu.memory_space<smem>>, %arg4: memref<10xi32, #tpu.memory_space<smem>>) -> (i32, i32) {
    %get3A = arith.index_cast %arg2 : i32 to index
    %get3A_0 = memref.load %arg4[%get3A] : memref<10xi32, #tpu.memory_space<smem>>
    %c0_i32 = arith.constant 0 : i32
    %c0_i32_1 = arith.constant 0 : i32
    return %get3A_0, %c0_i32 : i32, i32
  }
  func.func @transform_6(%arg0: i32, %arg1: i32, %arg2: i32, %arg3: memref<10xi32, #tpu.memory_space<smem>>, %arg4: memref<10xi32, #tpu.memory_space<smem>>) -> (i32, i32) {
    %get3A = arith.index_cast %arg2 : i32 to index
    %get3A_0 = memref.load %arg4[%get3A] : memref<10xi32, #tpu.memory_space<smem>>
    %c0_i32 = arith.constant 0 : i32
    %c0_i32_1 = arith.constant 0 : i32
    return %get3A_0, %c0_i32 : i32, i32
  }
  func.func @transform_7(%arg0: i32, %arg1: i32, %arg2: i32, %arg3: memref<10xi32, #tpu.memory_space<smem>>, %arg4: memref<10xi32, #tpu.memory_space<smem>>) -> (i32, i32) {
    %c0_i32 = arith.constant 0 : i32
    %c0_i32_0 = arith.constant 0 : i32
    %c0_i32_1 = arith.constant 0 : i32
    return %c0_i32, %c0_i32_0 : i32, i32
  }
  func.func @transform_8(%arg0: i32, %arg1: i32, %arg2: i32, %arg3: memref<10xi32, #tpu.memory_space<smem>>, %arg4: memref<10xi32, #tpu.memory_space<smem>>) -> (i32, i32, i32) {
    %mul3A = arith.constant 4 : i32
    %mul3A_0 = arith.muli %arg0, %mul3A : i32
    %get3A = arith.index_cast %arg2 : i32 to index
    %get3A_1 = memref.load %arg3[%get3A] : memref<10xi32, #tpu.memory_space<smem>>
    %add3A = arith.addi %mul3A_0, %get3A_1 : i32
    %c0_i32 = arith.constant 0 : i32
    %c0_i32_2 = arith.constant 0 : i32
    return %arg1, %add3A, %c0_i32 : i32, i32, i32
  }
}

module attributes {stable_mosaic.version = 14 : i64} {
  func.func @_post_kernel(%arg0: i32, %arg1: memref<16x512x64xf32, #tpu.memory_space<vmem>>, %arg2: memref<512x1024xf32, #tpu.memory_space<vmem>>, %arg3: memref<1x1024xf32, #tpu.memory_space<vmem>>, %arg4: memref<1024x1024xbf16, #tpu.memory_space<vmem>>, %arg5: memref<1024x128xbf16, #tpu.memory_space<vmem>>, %arg6: memref<512x1024xf32, #tpu.memory_space<vmem>>, %arg7: memref<512x8x128xf32, #tpu.memory_space<vmem>>, %arg8: memref<512x128xf32, #tpu.memory_space<vmem>>, %arg9: memref<512x128xi32, #tpu.memory_space<vmem>>, %arg10: memref<8x128xi32, #tpu.memory_space<vmem>>, %arg11: memref<1x128xf32, #tpu.memory_space<vmem>>) attributes {dimension_semantics = [#tpu.dimension_semantics<arbitrary>], iteration_bounds = array<i64: 8>, scalar_prefetch = 0 : i64, scratch_operands = 1 : i64, tpu.core_type = #tpu.core_type<tc>, window_params = [{transform_indices = @transform_0, window_bounds = array<i64: 16, 512, 64>}, {transform_indices = @transform_1, window_bounds = array<i64: 512, 1024>}, {pipeline_mode = #tpu.pipeline_mode<synchronous>, transform_indices = @transform_2, window_bounds = array<i64: 1, 1024>}, {pipeline_mode = #tpu.pipeline_mode<synchronous>, transform_indices = @transform_3, window_bounds = array<i64: 1024, 1024>}, {pipeline_mode = #tpu.pipeline_mode<synchronous>, transform_indices = @transform_4, window_bounds = array<i64: 1024, 128>}, {transform_indices = @transform_5, window_bounds = array<i64: 512, 1024>}, {transform_indices = @transform_6, window_bounds = array<i64: 512, 8, 128>}, {transform_indices = @transform_7, window_bounds = array<i64: 512, 128>}, {transform_indices = @transform_8, window_bounds = array<i64: 512, 128>}, {pipeline_mode = #tpu.pipeline_mode<synchronous>, transform_indices = @transform_9, window_bounds = array<i64: 8, 128>}]} {
    %eq3A = arith.constant 0 : i32
    %eq3A_0 = arith.cmpi eq, %arg0, %eq3A : i32
    %convert_element_type3A = arith.extui %eq3A_0 : i1 to i32
    %cond3A = arith.constant 0 : i32
    %cond3A_1 = arith.cmpi ne, %convert_element_type3A, %cond3A : i32
    scf.if %cond3A_1 {
      %broadcast_in_dim3A_292 = arith.constant 0.000000e+00 : f32
      %broadcast_in_dim3A_293 = vector.broadcast %broadcast_in_dim3A_292 : f32 to vector<1x128xf32>
      %swap3A_294 = arith.constant 0 : index
      %swap3A_295 = arith.constant 0 : index
      %swap3A_296 = vector.load %arg11[%swap3A_294, %swap3A_295] : memref<1x128xf32, #tpu.memory_space<vmem>>, vector<1x128xf32>
      tpu.vector_store %arg11[%swap3A_294, %swap3A_295], %broadcast_in_dim3A_293 {strides = array<i32>} : memref<1x128xf32, #tpu.memory_space<vmem>>, vector<1x128xf32>,
    } else {
    }
    %get3A = arith.constant 0 : index
    %get3A_2 = arith.constant 0 : index
    %get3A_3 = arith.constant 0 : index
    %get3A_4 = vector.load %arg1[%get3A, %get3A_2, %get3A_3] : memref<16x512x64xf32, #tpu.memory_space<vmem>>, vector<1x512x64xf32>
    %get3A_5 = vector.shape_cast %get3A_4 : vector<1x512x64xf32> to vector<512x64xf32>
    %get3A_6 = arith.constant 1 : index
    %get3A_7 = arith.constant 0 : index
    %get3A_8 = arith.constant 0 : index
    %get3A_9 = vector.load %arg1[%get3A_6, %get3A_7, %get3A_8] : memref<16x512x64xf32, #tpu.memory_space<vmem>>, vector<1x512x64xf32>
    %get3A_10 = vector.shape_cast %get3A_9 : vector<1x512x64xf32> to vector<512x64xf32>
    %get3A_11 = arith.constant 2 : index
    %get3A_12 = arith.constant 0 : index
    %get3A_13 = arith.constant 0 : index
    %get3A_14 = vector.load %arg1[%get3A_11, %get3A_12, %get3A_13] : memref<16x512x64xf32, #tpu.memory_space<vmem>>, vector<1x512x64xf32>
    %get3A_15 = vector.shape_cast %get3A_14 : vector<1x512x64xf32> to vector<512x64xf32>
    %get3A_16 = arith.constant 3 : index
    %get3A_17 = arith.constant 0 : index
    %get3A_18 = arith.constant 0 : index
    %get3A_19 = vector.load %arg1[%get3A_16, %get3A_17, %get3A_18] : memref<16x512x64xf32, #tpu.memory_space<vmem>>, vector<1x512x64xf32>
    %get3A_20 = vector.shape_cast %get3A_19 : vector<1x512x64xf32> to vector<512x64xf32>
    %get3A_21 = arith.constant 4 : index
    %get3A_22 = arith.constant 0 : index
    %get3A_23 = arith.constant 0 : index
    %get3A_24 = vector.load %arg1[%get3A_21, %get3A_22, %get3A_23] : memref<16x512x64xf32, #tpu.memory_space<vmem>>, vector<1x512x64xf32>
    %get3A_25 = vector.shape_cast %get3A_24 : vector<1x512x64xf32> to vector<512x64xf32>
    %get3A_26 = arith.constant 5 : index
    %get3A_27 = arith.constant 0 : index
    %get3A_28 = arith.constant 0 : index
    %get3A_29 = vector.load %arg1[%get3A_26, %get3A_27, %get3A_28] : memref<16x512x64xf32, #tpu.memory_space<vmem>>, vector<1x512x64xf32>
    %get3A_30 = vector.shape_cast %get3A_29 : vector<1x512x64xf32> to vector<512x64xf32>
    %get3A_31 = arith.constant 6 : index
    %get3A_32 = arith.constant 0 : index
    %get3A_33 = arith.constant 0 : index
    %get3A_34 = vector.load %arg1[%get3A_31, %get3A_32, %get3A_33] : memref<16x512x64xf32, #tpu.memory_space<vmem>>, vector<1x512x64xf32>
    %get3A_35 = vector.shape_cast %get3A_34 : vector<1x512x64xf32> to vector<512x64xf32>
    %get3A_36 = arith.constant 7 : index
    %get3A_37 = arith.constant 0 : index
    %get3A_38 = arith.constant 0 : index
    %get3A_39 = vector.load %arg1[%get3A_36, %get3A_37, %get3A_38] : memref<16x512x64xf32, #tpu.memory_space<vmem>>, vector<1x512x64xf32>
    %get3A_40 = vector.shape_cast %get3A_39 : vector<1x512x64xf32> to vector<512x64xf32>
    %get3A_41 = arith.constant 8 : index
    %get3A_42 = arith.constant 0 : index
    %get3A_43 = arith.constant 0 : index
    %get3A_44 = vector.load %arg1[%get3A_41, %get3A_42, %get3A_43] : memref<16x512x64xf32, #tpu.memory_space<vmem>>, vector<1x512x64xf32>
    %get3A_45 = vector.shape_cast %get3A_44 : vector<1x512x64xf32> to vector<512x64xf32>
    %get3A_46 = arith.constant 9 : index
    %get3A_47 = arith.constant 0 : index
    %get3A_48 = arith.constant 0 : index
    %get3A_49 = vector.load %arg1[%get3A_46, %get3A_47, %get3A_48] : memref<16x512x64xf32, #tpu.memory_space<vmem>>, vector<1x512x64xf32>
    %get3A_50 = vector.shape_cast %get3A_49 : vector<1x512x64xf32> to vector<512x64xf32>
    %get3A_51 = arith.constant 10 : index
    %get3A_52 = arith.constant 0 : index
    %get3A_53 = arith.constant 0 : index
    %get3A_54 = vector.load %arg1[%get3A_51, %get3A_52, %get3A_53] : memref<16x512x64xf32, #tpu.memory_space<vmem>>, vector<1x512x64xf32>
    %get3A_55 = vector.shape_cast %get3A_54 : vector<1x512x64xf32> to vector<512x64xf32>
    %get3A_56 = arith.constant 11 : index
    %get3A_57 = arith.constant 0 : index
    %get3A_58 = arith.constant 0 : index
    %get3A_59 = vector.load %arg1[%get3A_56, %get3A_57, %get3A_58] : memref<16x512x64xf32, #tpu.memory_space<vmem>>, vector<1x512x64xf32>
    %get3A_60 = vector.shape_cast %get3A_59 : vector<1x512x64xf32> to vector<512x64xf32>
    %get3A_61 = arith.constant 12 : index
    %get3A_62 = arith.constant 0 : index
    %get3A_63 = arith.constant 0 : index
    %get3A_64 = vector.load %arg1[%get3A_61, %get3A_62, %get3A_63] : memref<16x512x64xf32, #tpu.memory_space<vmem>>, vector<1x512x64xf32>
    %get3A_65 = vector.shape_cast %get3A_64 : vector<1x512x64xf32> to vector<512x64xf32>
    %get3A_66 = arith.constant 13 : index
    %get3A_67 = arith.constant 0 : index
    %get3A_68 = arith.constant 0 : index
    %get3A_69 = vector.load %arg1[%get3A_66, %get3A_67, %get3A_68] : memref<16x512x64xf32, #tpu.memory_space<vmem>>, vector<1x512x64xf32>
    %get3A_70 = vector.shape_cast %get3A_69 : vector<1x512x64xf32> to vector<512x64xf32>
    %get3A_71 = arith.constant 14 : index
    %get3A_72 = arith.constant 0 : index
    %get3A_73 = arith.constant 0 : index
    %get3A_74 = vector.load %arg1[%get3A_71, %get3A_72, %get3A_73] : memref<16x512x64xf32, #tpu.memory_space<vmem>>, vector<1x512x64xf32>
    %get3A_75 = vector.shape_cast %get3A_74 : vector<1x512x64xf32> to vector<512x64xf32>
    %get3A_76 = arith.constant 15 : index
    %get3A_77 = arith.constant 0 : index
    %get3A_78 = arith.constant 0 : index
    %get3A_79 = vector.load %arg1[%get3A_76, %get3A_77, %get3A_78] : memref<16x512x64xf32, #tpu.memory_space<vmem>>, vector<1x512x64xf32>
    %get3A_80 = vector.shape_cast %get3A_79 : vector<1x512x64xf32> to vector<512x64xf32>
    %concatenate3A = tpu.concatenate %get3A_5, %get3A_10, %get3A_15, %get3A_20, %get3A_25, %get3A_30, %get3A_35, %get3A_40, %get3A_45, %get3A_50, %get3A_55, %get3A_60, %get3A_65, %get3A_70, %get3A_75, %get3A_80 in 1 : vector<512x64xf32>, vector<512x64xf32>, vector<512x64xf32>, vector<512x64xf32>, vector<512x64xf32>, vector<512x64xf32>, vector<512x64xf32>, vector<512x64xf32>, vector<512x64xf32>, vector<512x64xf32>, vector<512x64xf32>, vector<512x64xf32>, vector<512x64xf32>, vector<512x64xf32>, vector<512x64xf32>, vector<512x64xf32> -> vector<512x1024xf32>
    %convert_element_type3A_81 = arith.truncf %concatenate3A : vector<512x1024xf32> to vector<512x1024xbf16>
    %get3A_82 = arith.constant 0 : index
    %get3A_83 = arith.constant 0 : index
    %get3A_84 = vector.load %arg4[%get3A_82, %get3A_83] : memref<1024x1024xbf16, #tpu.memory_space<vmem>>, vector<1024x1024xbf16>
    %dot_general3A = arith.constant dense<0.000000e+00> : vector<512x1024xf32>
    %dot_general3A_85 = tpu.matmul %convert_element_type3A_81, %get3A_84, %dot_general3A {dimension_numbers = #tpu.dot_dimension_numbers<[1], [0], [0], [1], [0, 0, 1, 1], [], []>, transpose_lhs_hint = false} : vector<512x1024xbf16>, vector<1024x1024xbf16>, vector<512x1024xf32> -> vector<512x1024xf32>
    %get3A_86 = arith.constant 0 : index
    %get3A_87 = arith.constant 0 : index
    %get3A_88 = vector.load %arg2[%get3A_86, %get3A_87] : memref<512x1024xf32, #tpu.memory_space<vmem>>, vector<512x1024xf32>
    %add3A = arith.addf %get3A_88, %dot_general3A_85 : vector<512x1024xf32>
    %swap3A = arith.constant 0 : index
    %swap3A_89 = arith.constant 0 : index
    %swap3A_90 = vector.load %arg6[%swap3A, %swap3A_89] : memref<512x1024xf32, #tpu.memory_space<vmem>>, vector<512x1024xf32>
    tpu.vector_store %arg6[%swap3A, %swap3A_89], %add3A {strides = array<i32>} : memref<512x1024xf32, #tpu.memory_space<vmem>>, vector<512x1024xf32>,
    %get3A_91 = arith.constant 0 : index
    %get3A_92 = arith.constant 0 : index
    %get3A_93 = vector.load %arg3[%get3A_91, %get3A_92] : memref<1x1024xf32, #tpu.memory_space<vmem>>, vector<1x1024xf32>
    %mul3A = arith.mulf %add3A, %add3A : vector<512x1024xf32>
    %reduce_sum3A = arith.constant dense<0.000000e+00> : vector<512xf32>
    %reduce_sum3A_94 = vector.multi_reduction <add>, %mul3A, %reduce_sum3A [1] : vector<512x1024xf32> to vector<512xf32>
    %broadcast_in_dim3A = vector.shape_cast %reduce_sum3A_94 : vector<512xf32> to vector<512x1xf32>
    %div3A = arith.constant 1.024000e+03 : f32
    %div3A_95 = vector.broadcast %div3A : f32 to vector<512x1xf32>
    %div3A_96 = arith.divf %broadcast_in_dim3A, %div3A_95 : vector<512x1xf32>
    %add3A_97 = arith.constant 9.99999997E-7 : f32
    %add3A_98 = vector.broadcast %add3A_97 : f32 to vector<512x1xf32>
    %add3A_99 = arith.addf %div3A_96, %add3A_98 : vector<512x1xf32>
    %rsqrt3A = math.rsqrt %add3A_99 : vector<512x1xf32>
    %mul3A_100 = vector.broadcast %rsqrt3A : vector<512x1xf32> to vector<512x1024xf32>
    %mul3A_101 = arith.mulf %add3A, %mul3A_100 : vector<512x1024xf32>
    %mul3A_102 = vector.broadcast %get3A_93 : vector<1x1024xf32> to vector<512x1024xf32>
    %mul3A_103 = arith.mulf %mul3A_101, %mul3A_102 : vector<512x1024xf32>
    %convert_element_type3A_104 = arith.truncf %mul3A_103 : vector<512x1024xf32> to vector<512x1024xbf16>
    %convert_element_type3A_105 = arith.extf %convert_element_type3A_104 : vector<512x1024xbf16> to vector<512x1024xf32>
    %slice3A = vector.extract_strided_slice %convert_element_type3A_105 {offsets = [0, 0], sizes = [512, 128], strides = [1, 1]} : vector<512x1024xf32> to vector<512x128xf32>
    %swap3A_106 = arith.constant 0 : index
    %swap3A_107 = arith.constant 0 : index
    %swap3A_108 = arith.constant 0 : index
    %swap3A_109 = vector.load %arg7[%swap3A_106, %swap3A_107, %swap3A_108] : memref<512x8x128xf32, #tpu.memory_space<vmem>>, vector<512x1x128xf32>
    %swap3A_110 = vector.shape_cast %swap3A_109 : vector<512x1x128xf32> to vector<512x128xf32>
    %swap3A_111 = vector.shape_cast %slice3A : vector<512x128xf32> to vector<512x1x128xf32>
    tpu.vector_store %arg7[%swap3A_106, %swap3A_107, %swap3A_108], %swap3A_111 {strides = array<i32>} : memref<512x8x128xf32, #tpu.memory_space<vmem>>, vector<512x1x128xf32>,
    %slice3A_112 = vector.extract_strided_slice %convert_element_type3A_105 {offsets = [0, 128], sizes = [512, 128], strides = [1, 1]} : vector<512x1024xf32> to vector<512x128xf32>
    %swap3A_113 = arith.constant 0 : index
    %swap3A_114 = arith.constant 1 : index
    %swap3A_115 = arith.constant 0 : index
    %swap3A_116 = vector.load %arg7[%swap3A_113, %swap3A_114, %swap3A_115] : memref<512x8x128xf32, #tpu.memory_space<vmem>>, vector<512x1x128xf32>
    %swap3A_117 = vector.shape_cast %swap3A_116 : vector<512x1x128xf32> to vector<512x128xf32>
    %swap3A_118 = vector.shape_cast %slice3A_112 : vector<512x128xf32> to vector<512x1x128xf32>
    tpu.vector_store %arg7[%swap3A_113, %swap3A_114, %swap3A_115], %swap3A_118 {strides = array<i32>} : memref<512x8x128xf32, #tpu.memory_space<vmem>>, vector<512x1x128xf32>,
    %slice3A_119 = vector.extract_strided_slice %convert_element_type3A_105 {offsets = [0, 256], sizes = [512, 128], strides = [1, 1]} : vector<512x1024xf32> to vector<512x128xf32>
    %swap3A_120 = arith.constant 0 : index
    %swap3A_121 = arith.constant 2 : index
    %swap3A_122 = arith.constant 0 : index
    %swap3A_123 = vector.load %arg7[%swap3A_120, %swap3A_121, %swap3A_122] : memref<512x8x128xf32, #tpu.memory_space<vmem>>, vector<512x1x128xf32>
    %swap3A_124 = vector.shape_cast %swap3A_123 : vector<512x1x128xf32> to vector<512x128xf32>
    %swap3A_125 = vector.shape_cast %slice3A_119 : vector<512x128xf32> to vector<512x1x128xf32>
    tpu.vector_store %arg7[%swap3A_120, %swap3A_121, %swap3A_122], %swap3A_125 {strides = array<i32>} : memref<512x8x128xf32, #tpu.memory_space<vmem>>, vector<512x1x128xf32>,
    %slice3A_126 = vector.extract_strided_slice %convert_element_type3A_105 {offsets = [0, 384], sizes = [512, 128], strides = [1, 1]} : vector<512x1024xf32> to vector<512x128xf32>
    %swap3A_127 = arith.constant 0 : index
    %swap3A_128 = arith.constant 3 : index
    %swap3A_129 = arith.constant 0 : index
    %swap3A_130 = vector.load %arg7[%swap3A_127, %swap3A_128, %swap3A_129] : memref<512x8x128xf32, #tpu.memory_space<vmem>>, vector<512x1x128xf32>
    %swap3A_131 = vector.shape_cast %swap3A_130 : vector<512x1x128xf32> to vector<512x128xf32>
    %swap3A_132 = vector.shape_cast %slice3A_126 : vector<512x128xf32> to vector<512x1x128xf32>
    tpu.vector_store %arg7[%swap3A_127, %swap3A_128, %swap3A_129], %swap3A_132 {strides = array<i32>} : memref<512x8x128xf32, #tpu.memory_space<vmem>>, vector<512x1x128xf32>,
    %slice3A_133 = vector.extract_strided_slice %convert_element_type3A_105 {offsets = [0, 512], sizes = [512, 128], strides = [1, 1]} : vector<512x1024xf32> to vector<512x128xf32>
    %swap3A_134 = arith.constant 0 : index
    %swap3A_135 = arith.constant 4 : index
    %swap3A_136 = arith.constant 0 : index
    %swap3A_137 = vector.load %arg7[%swap3A_134, %swap3A_135, %swap3A_136] : memref<512x8x128xf32, #tpu.memory_space<vmem>>, vector<512x1x128xf32>
    %swap3A_138 = vector.shape_cast %swap3A_137 : vector<512x1x128xf32> to vector<512x128xf32>
    %swap3A_139 = vector.shape_cast %slice3A_133 : vector<512x128xf32> to vector<512x1x128xf32>
    tpu.vector_store %arg7[%swap3A_134, %swap3A_135, %swap3A_136], %swap3A_139 {strides = array<i32>} : memref<512x8x128xf32, #tpu.memory_space<vmem>>, vector<512x1x128xf32>,
    %slice3A_140 = vector.extract_strided_slice %convert_element_type3A_105 {offsets = [0, 640], sizes = [512, 128], strides = [1, 1]} : vector<512x1024xf32> to vector<512x128xf32>
    %swap3A_141 = arith.constant 0 : index
    %swap3A_142 = arith.constant 5 : index
    %swap3A_143 = arith.constant 0 : index
    %swap3A_144 = vector.load %arg7[%swap3A_141, %swap3A_142, %swap3A_143] : memref<512x8x128xf32, #tpu.memory_space<vmem>>, vector<512x1x128xf32>
    %swap3A_145 = vector.shape_cast %swap3A_144 : vector<512x1x128xf32> to vector<512x128xf32>
    %swap3A_146 = vector.shape_cast %slice3A_140 : vector<512x128xf32> to vector<512x1x128xf32>
    tpu.vector_store %arg7[%swap3A_141, %swap3A_142, %swap3A_143], %swap3A_146 {strides = array<i32>} : memref<512x8x128xf32, #tpu.memory_space<vmem>>, vector<512x1x128xf32>,
    %slice3A_147 = vector.extract_strided_slice %convert_element_type3A_105 {offsets = [0, 768], sizes = [512, 128], strides = [1, 1]} : vector<512x1024xf32> to vector<512x128xf32>
    %swap3A_148 = arith.constant 0 : index
    %swap3A_149 = arith.constant 6 : index
    %swap3A_150 = arith.constant 0 : index
    %swap3A_151 = vector.load %arg7[%swap3A_148, %swap3A_149, %swap3A_150] : memref<512x8x128xf32, #tpu.memory_space<vmem>>, vector<512x1x128xf32>
    %swap3A_152 = vector.shape_cast %swap3A_151 : vector<512x1x128xf32> to vector<512x128xf32>
    %swap3A_153 = vector.shape_cast %slice3A_147 : vector<512x128xf32> to vector<512x1x128xf32>
    tpu.vector_store %arg7[%swap3A_148, %swap3A_149, %swap3A_150], %swap3A_153 {strides = array<i32>} : memref<512x8x128xf32, #tpu.memory_space<vmem>>, vector<512x1x128xf32>,
    %slice3A_154 = vector.extract_strided_slice %convert_element_type3A_105 {offsets = [0, 896], sizes = [512, 128], strides = [1, 1]} : vector<512x1024xf32> to vector<512x128xf32>
    %swap3A_155 = arith.constant 0 : index
    %swap3A_156 = arith.constant 7 : index
    %swap3A_157 = arith.constant 0 : index
    %swap3A_158 = vector.load %arg7[%swap3A_155, %swap3A_156, %swap3A_157] : memref<512x8x128xf32, #tpu.memory_space<vmem>>, vector<512x1x128xf32>
    %swap3A_159 = vector.shape_cast %swap3A_158 : vector<512x1x128xf32> to vector<512x128xf32>
    %swap3A_160 = vector.shape_cast %slice3A_154 : vector<512x128xf32> to vector<512x1x128xf32>
    tpu.vector_store %arg7[%swap3A_155, %swap3A_156, %swap3A_157], %swap3A_160 {strides = array<i32>} : memref<512x8x128xf32, #tpu.memory_space<vmem>>, vector<512x1x128xf32>,
    %get3A_161 = arith.constant 0 : index
    %get3A_162 = arith.constant 0 : index
    %get3A_163 = vector.load %arg5[%get3A_161, %get3A_162] : memref<1024x128xbf16, #tpu.memory_space<vmem>>, vector<1024x128xbf16>
    %dot_general3A_164 = arith.constant dense<0.000000e+00> : vector<512x128xf32>
    %dot_general3A_165 = tpu.matmul %convert_element_type3A_104, %get3A_163, %dot_general3A_164 {dimension_numbers = #tpu.dot_dimension_numbers<[1], [0], [0], [1], [0, 0, 1, 1], [], []>, transpose_lhs_hint = false} : vector<512x1024xbf16>, vector<1024x128xbf16>, vector<512x128xf32> -> vector<512x128xf32>
    %iota3A = tpu.iota {dimensions = array<i32: 1>} : vector<512x128xi32>
    %lt3A = arith.constant 8 : i32
    %lt3A_166 = vector.broadcast %lt3A : i32 to vector<512x128xi32>
    %lt3A_167 = arith.cmpi slt, %iota3A, %lt3A_166 : vector<512x128xi32>
    %jit3A = arith.constant -1.000000e+30 : f32
    %broadcast_in_dim3A_168 = vector.broadcast %jit3A : f32 to vector<512x128xf32>
    %select_n3A = arith.select %lt3A_167, %dot_general3A_165, %broadcast_in_dim3A_168 : vector<512x128xi1>, vector<512x128xf32>
    %reduce_max3A = arith.constant dense<0xFF800000> : vector<512xf32>
    %reduce_max3A_169 = vector.multi_reduction <maximumf>, %select_n3A, %reduce_max3A [1] : vector<512x128xf32> to vector<512xf32>
    %broadcast_in_dim3A_170 = vector.shape_cast %reduce_max3A_169 : vector<512xf32> to vector<512x1xf32>
    %sub3A = vector.broadcast %broadcast_in_dim3A_170 : vector<512x1xf32> to vector<512x128xf32>
    %sub3A_171 = arith.subf %select_n3A, %sub3A : vector<512x128xf32>
    %exp3A = math.exp %sub3A_171 : vector<512x128xf32>
    %jit3A_172 = arith.constant 0.000000e+00 : f32
    %broadcast_in_dim3A_173 = vector.broadcast %jit3A_172 : f32 to vector<512x128xf32>
    %select_n3A_174 = arith.select %lt3A_167, %exp3A, %broadcast_in_dim3A_173 : vector<512x128xi1>, vector<512x128xf32>
    %reduce_sum3A_175 = arith.constant dense<0.000000e+00> : vector<512xf32>
    %reduce_sum3A_176 = vector.multi_reduction <add>, %select_n3A_174, %reduce_sum3A_175 [1] : vector<512x128xf32> to vector<512xf32>
    %broadcast_in_dim3A_177 = vector.shape_cast %reduce_sum3A_176 : vector<512xf32> to vector<512x1xf32>
    %div3A_178 = vector.broadcast %broadcast_in_dim3A_177 : vector<512x1xf32> to vector<512x128xf32>
    %div3A_179 = arith.divf %select_n3A_174, %div3A_178 : vector<512x128xf32>
    %reduce_max3A_180 = arith.constant dense<0xFF800000> : vector<512xf32>
    %reduce_max3A_181 = vector.multi_reduction <maximumf>, %div3A_179, %reduce_max3A_180 [1] : vector<512x128xf32> to vector<512xf32>
    %broadcast_in_dim3A_182 = vector.shape_cast %reduce_max3A_181 : vector<512xf32> to vector<512x1xf32>
    %eq3A_183 = vector.broadcast %broadcast_in_dim3A_182 : vector<512x1xf32> to vector<512x128xf32>
    %eq3A_184 = arith.cmpf oeq, %div3A_179, %eq3A_183 : vector<512x128xf32>
    %jit3A_185 = arith.constant 128 : i32
    %broadcast_in_dim3A_186 = vector.broadcast %jit3A_185 : i32 to vector<512x128xi32>
    %select_n3A_187 = arith.select %eq3A_184, %iota3A, %broadcast_in_dim3A_186 : vector<512x128xi1>, vector<512x128xi32>
    %reduce_min3A = arith.constant dense<2147483647> : vector<512xi32>
    %reduce_min3A_188 = vector.multi_reduction <minsi>, %select_n3A_187, %reduce_min3A [1] : vector<512x128xi32> to vector<512xi32>
    %broadcast_in_dim3A_189 = vector.shape_cast %reduce_min3A_188 : vector<512xi32> to vector<512x1xi32>
    %eq3A_190 = vector.broadcast %broadcast_in_dim3A_189 : vector<512x1xi32> to vector<512x128xi32>
    %eq3A_191 = arith.cmpi eq, %iota3A, %eq3A_190 : vector<512x128xi32>
    %jit3A_192 = arith.constant -1.000000e+00 : f32
    %broadcast_in_dim3A_193 = vector.broadcast %jit3A_192 : f32 to vector<512x128xf32>
    %select_n3A_194 = arith.select %eq3A_191, %broadcast_in_dim3A_193, %div3A_179 : vector<512x128xi1>, vector<512x128xf32>
    %reduce_max3A_195 = arith.constant dense<0xFF800000> : vector<512xf32>
    %reduce_max3A_196 = vector.multi_reduction <maximumf>, %select_n3A_194, %reduce_max3A_195 [1] : vector<512x128xf32> to vector<512xf32>
    %broadcast_in_dim3A_197 = vector.shape_cast %reduce_max3A_196 : vector<512xf32> to vector<512x1xf32>
    %eq3A_198 = vector.broadcast %broadcast_in_dim3A_197 : vector<512x1xf32> to vector<512x128xf32>
    %eq3A_199 = arith.cmpf oeq, %select_n3A_194, %eq3A_198 : vector<512x128xf32>
    %jit3A_200 = arith.constant 128 : i32
    %broadcast_in_dim3A_201 = vector.broadcast %jit3A_200 : i32 to vector<512x128xi32>
    %select_n3A_202 = arith.select %eq3A_199, %iota3A, %broadcast_in_dim3A_201 : vector<512x128xi1>, vector<512x128xi32>
    %reduce_min3A_203 = arith.constant dense<2147483647> : vector<512xi32>
    %reduce_min3A_204 = vector.multi_reduction <minsi>, %select_n3A_202, %reduce_min3A_203 [1] : vector<512x128xi32> to vector<512xi32>
    %broadcast_in_dim3A_205 = vector.shape_cast %reduce_min3A_204 : vector<512xi32> to vector<512x1xi32>
    %eq3A_206 = vector.broadcast %broadcast_in_dim3A_205 : vector<512x1xi32> to vector<512x128xi32>
    %eq3A_207 = arith.cmpi eq, %iota3A, %eq3A_206 : vector<512x128xi32>
    %add3A_208 = arith.addf %broadcast_in_dim3A_182, %broadcast_in_dim3A_197 : vector<512x1xf32>
    %eq3A_209 = arith.constant 0 : i32
    %eq3A_210 = vector.broadcast %eq3A_209 : i32 to vector<512x128xi32>
    %eq3A_211 = arith.cmpi eq, %iota3A, %eq3A_210 : vector<512x128xi32>
    %div3A_212 = arith.divf %broadcast_in_dim3A_182, %add3A_208 : vector<512x1xf32>
    %eq3A_213 = arith.constant 1 : i32
    %eq3A_214 = vector.broadcast %eq3A_213 : i32 to vector<512x128xi32>
    %eq3A_215 = arith.cmpi eq, %iota3A, %eq3A_214 : vector<512x128xi32>
    %div3A_216 = arith.divf %broadcast_in_dim3A_197, %add3A_208 : vector<512x1xf32>
    %jit3A_217 = arith.constant 0.000000e+00 : f32
    %broadcast_in_dim3A_218 = vector.shape_cast %div3A_216 : vector<512x1xf32> to vector<512x1xf32>
    %broadcast_in_dim3A_219 = vector.broadcast %broadcast_in_dim3A_218 : vector<512x1xf32> to vector<512x128xf32>
    %broadcast_in_dim3A_220 = vector.broadcast %jit3A_217 : f32 to vector<512x128xf32>
    %select_n3A_221 = arith.select %eq3A_215, %broadcast_in_dim3A_219, %broadcast_in_dim3A_220 : vector<512x128xi1>, vector<512x128xf32>
    %broadcast_in_dim3A_222 = vector.shape_cast %div3A_212 : vector<512x1xf32> to vector<512x1xf32>
    %broadcast_in_dim3A_223 = vector.broadcast %broadcast_in_dim3A_222 : vector<512x1xf32> to vector<512x128xf32>
    %select_n3A_224 = arith.select %eq3A_211, %broadcast_in_dim3A_223, %select_n3A_221 : vector<512x128xi1>, vector<512x128xf32>
    %swap3A_225 = arith.constant 0 : index
    %swap3A_226 = arith.constant 0 : index
    %swap3A_227 = vector.load %arg8[%swap3A_225, %swap3A_226] : memref<512x128xf32, #tpu.memory_space<vmem>>, vector<512x128xf32>
    tpu.vector_store %arg8[%swap3A_225, %swap3A_226], %select_n3A_224 {strides = array<i32>} : memref<512x128xf32, #tpu.memory_space<vmem>>, vector<512x128xf32>,
    %or3A = arith.ori %eq3A_191, %eq3A_207 : vector<512x128xi1>
    %convert_element_type3A_228 = arith.extui %or3A : vector<512x128xi1> to vector<512x128xi32>
    %convert_element_type3A_229 = arith.sitofp %convert_element_type3A_228 : vector<512x128xi32> to vector<512x128xf32>
    %iota3A_230 = tpu.iota {dimensions = array<i32: 0>} : vector<512x512xi32>
    %iota3A_231 = tpu.iota {dimensions = array<i32: 1>} : vector<512x512xi32>
    %lt3A_232 = arith.cmpi slt, %iota3A_231, %iota3A_230 : vector<512x512xi32>
    %convert_element_type3A_233 = arith.extui %lt3A_232 : vector<512x512xi1> to vector<512x512xi32>
    %convert_element_type3A_234 = arith.sitofp %convert_element_type3A_233 : vector<512x512xi32> to vector<512x512xf32>
    %dot_general3A_235 = arith.constant dense<0.000000e+00> : vector<512x128xf32>
    %dot_general3A_236 = tpu.matmul %convert_element_type3A_234, %convert_element_type3A_229, %dot_general3A_235 {dimension_numbers = #tpu.dot_dimension_numbers<[1], [0], [0], [1], [0, 0, 1, 1], [], []>, transpose_lhs_hint = false} : vector<512x512xf32>, vector<512x128xf32>, vector<512x128xf32> -> vector<512x128xf32>
    %convert_element_type3A_237 = arith.sitofp %iota3A : vector<512x128xi32> to vector<512x128xf32>
    %mul3A_238 = arith.constant 4.096000e+03 : f32
    %mul3A_239 = vector.broadcast %mul3A_238 : f32 to vector<512x128xf32>
    %mul3A_240 = arith.mulf %convert_element_type3A_237, %mul3A_239 : vector<512x128xf32>
    %get3A_241 = arith.constant 0 : index
    %get3A_242 = arith.constant 0 : index
    %get3A_243 = vector.load %arg11[%get3A_241, %get3A_242] : memref<1x128xf32, #tpu.memory_space<vmem>>, vector<1x128xf32>
    %add3A_244 = vector.broadcast %get3A_243 : vector<1x128xf32> to vector<512x128xf32>
    %add3A_245 = arith.addf %mul3A_240, %add3A_244 : vector<512x128xf32>
    %add3A_246 = arith.addf %add3A_245, %dot_general3A_236 : vector<512x128xf32>
    %convert_element_type3A_247 = arith.extui %eq3A_191 : vector<512x128xi1> to vector<512x128xi32>
    %convert_element_type3A_248 = arith.sitofp %convert_element_type3A_247 : vector<512x128xi32> to vector<512x128xf32>
    %mul3A_249 = arith.mulf %add3A_246, %convert_element_type3A_248 : vector<512x128xf32>
    %reduce_sum3A_250 = arith.constant dense<0.000000e+00> : vector<512xf32>
    %reduce_sum3A_251 = vector.multi_reduction <add>, %mul3A_249, %reduce_sum3A_250 [1] : vector<512x128xf32> to vector<512xf32>
    %broadcast_in_dim3A_252 = vector.shape_cast %reduce_sum3A_251 : vector<512xf32> to vector<512x1xf32>
    %convert_element_type3A_253 = arith.extui %eq3A_207 : vector<512x128xi1> to vector<512x128xi32>
    %convert_element_type3A_254 = arith.sitofp %convert_element_type3A_253 : vector<512x128xi32> to vector<512x128xf32>
    %mul3A_255 = arith.mulf %add3A_246, %convert_element_type3A_254 : vector<512x128xf32>
    %reduce_sum3A_256 = arith.constant dense<0.000000e+00> : vector<512xf32>
    %reduce_sum3A_257 = vector.multi_reduction <add>, %mul3A_255, %reduce_sum3A_256 [1] : vector<512x128xf32> to vector<512xf32>
    %broadcast_in_dim3A_258 = vector.shape_cast %reduce_sum3A_257 : vector<512xf32> to vector<512x1xf32>
    %eq3A_259 = arith.constant 0 : i32
    %eq3A_260 = vector.broadcast %eq3A_259 : i32 to vector<512x128xi32>
    %eq3A_261 = arith.cmpi eq, %iota3A, %eq3A_260 : vector<512x128xi32>
    %eq3A_262 = arith.constant 1 : i32
    %eq3A_263 = vector.broadcast %eq3A_262 : i32 to vector<512x128xi32>
    %eq3A_264 = arith.cmpi eq, %iota3A, %eq3A_263 : vector<512x128xi32>
    %jit3A_265 = arith.constant 0.000000e+00 : f32
    %broadcast_in_dim3A_266 = vector.shape_cast %broadcast_in_dim3A_258 : vector<512x1xf32> to vector<512x1xf32>
    %broadcast_in_dim3A_267 = vector.broadcast %broadcast_in_dim3A_266 : vector<512x1xf32> to vector<512x128xf32>
    %broadcast_in_dim3A_268 = vector.broadcast %jit3A_265 : f32 to vector<512x128xf32>
    %select_n3A_269 = arith.select %eq3A_264, %broadcast_in_dim3A_267, %broadcast_in_dim3A_268 : vector<512x128xi1>, vector<512x128xf32>
    %broadcast_in_dim3A_270 = vector.shape_cast %broadcast_in_dim3A_252 : vector<512x1xf32> to vector<512x1xf32>
    %broadcast_in_dim3A_271 = vector.broadcast %broadcast_in_dim3A_270 : vector<512x1xf32> to vector<512x128xf32>
    %select_n3A_272 = arith.select %eq3A_261, %broadcast_in_dim3A_271, %select_n3A_269 : vector<512x128xi1>, vector<512x128xf32>
    %convert_element_type3A_273 = arith.fptosi %select_n3A_272 : vector<512x128xf32> to vector<512x128xi32>
    %swap3A_274 = arith.constant 0 : index
    %swap3A_275 = arith.constant 0 : index
    %swap3A_276 = vector.load %arg9[%swap3A_274, %swap3A_275] : memref<512x128xi32, #tpu.memory_space<vmem>>, vector<512x128xi32>
    tpu.vector_store %arg9[%swap3A_274, %swap3A_275], %convert_element_type3A_273 {strides = array<i32>} : memref<512x128xi32, #tpu.memory_space<vmem>>, vector<512x128xi32>,
    %get3A_277 = arith.constant 0 : index
    %get3A_278 = arith.constant 0 : index
    %get3A_279 = vector.load %arg11[%get3A_277, %get3A_278] : memref<1x128xf32, #tpu.memory_space<vmem>>, vector<1x128xf32>
    %reduce_sum3A_280 = arith.constant dense<0.000000e+00> : vector<128xf32>
    %reduce_sum3A_281 = vector.multi_reduction <add>, %convert_element_type3A_229, %reduce_sum3A_280 [0] : vector<512x128xf32> to vector<128xf32>
    %broadcast_in_dim3A_282 = vector.shape_cast %reduce_sum3A_281 : vector<128xf32> to vector<1x128xf32>
    %add3A_283 = arith.addf %get3A_279, %broadcast_in_dim3A_282 : vector<1x128xf32>
    %swap3A_284 = arith.constant 0 : index
    %swap3A_285 = arith.constant 0 : index
    %swap3A_286 = vector.load %arg11[%swap3A_284, %swap3A_285] : memref<1x128xf32, #tpu.memory_space<vmem>>, vector<1x128xf32>
    tpu.vector_store %arg11[%swap3A_284, %swap3A_285], %add3A_283 {strides = array<i32>} : memref<1x128xf32, #tpu.memory_space<vmem>>, vector<1x128xf32>,
    %eq3A_287 = arith.constant 7 : i32
    %eq3A_288 = arith.cmpi eq, %arg0, %eq3A_287 : i32
    %convert_element_type3A_289 = arith.extui %eq3A_288 : i1 to i32
    %cond3A_290 = arith.constant 0 : i32
    %cond3A_291 = arith.cmpi ne, %convert_element_type3A_289, %cond3A_290 : i32
    scf.if %cond3A_291 {
      %iota3A_292 = tpu.iota {dimensions = array<i32: 0>} : vector<128x128xi32>
      %iota3A_293 = tpu.iota {dimensions = array<i32: 1>} : vector<128x128xi32>
      %jit3A_294 = arith.constant 8 : i32
      %div3A_295 = vector.broadcast %jit3A_294 : i32 to vector<128x128xi32>
      %div3A_296 = arith.divsi %iota3A_292, %div3A_295 : vector<128x128xi32>
      %sign3A = arith.constant 0 : i32
      %sign3A_297 = vector.broadcast %sign3A : i32 to vector<128x128xi32>
      %sign3A_298 = arith.cmpi sgt, %iota3A_292, %sign3A_297 : vector<128x128xi32>
      %sign3A_299 = arith.extui %sign3A_298 : vector<128x128xi1> to vector<128x128xi32>
      %sign3A_300 = arith.constant 0 : i32
      %sign3A_301 = vector.broadcast %sign3A_300 : i32 to vector<128x128xi32>
      %sign3A_302 = arith.cmpi slt, %iota3A_292, %sign3A_301 : vector<128x128xi32>
      %sign3A_303 = arith.extui %sign3A_302 : vector<128x128xi1> to vector<128x128xi32>
      %sign3A_304 = arith.subi %sign3A_299, %sign3A_303 : vector<128x128xi32>
      %sign3A_305 = arith.constant 0 : i32
      %sign3A_306 = arith.cmpi sgt, %jit3A_294, %sign3A_305 : i32
      %sign3A_307 = arith.extui %sign3A_306 : i1 to i32
      %sign3A_308 = arith.constant 0 : i32
      %sign3A_309 = arith.cmpi slt, %jit3A_294, %sign3A_308 : i32
      %sign3A_310 = arith.extui %sign3A_309 : i1 to i32
      %sign3A_311 = arith.subi %sign3A_307, %sign3A_310 : i32
      %ne3A = vector.broadcast %sign3A_311 : i32 to vector<128x128xi32>
      %ne3A_312 = arith.cmpi ne, %sign3A_304, %ne3A : vector<128x128xi32>
      %rem3A = vector.broadcast %jit3A_294 : i32 to vector<128x128xi32>
      %rem3A_313 = arith.remsi %iota3A_292, %rem3A : vector<128x128xi32>
      %ne3A_314 = arith.constant 0 : i32
      %ne3A_315 = vector.broadcast %ne3A_314 : i32 to vector<128x128xi32>
      %ne3A_316 = arith.cmpi ne, %rem3A_313, %ne3A_315 : vector<128x128xi32>
      %and3A = arith.andi %ne3A_312, %ne3A_316 : vector<128x128xi1>
      %sub3A_317 = arith.constant 1 : i32
      %sub3A_318 = vector.broadcast %sub3A_317 : i32 to vector<128x128xi32>
      %sub3A_319 = arith.subi %div3A_296, %sub3A_318 : vector<128x128xi32>
      %select_n3A_320 = arith.select %and3A, %sub3A_319, %div3A_296 : vector<128x128xi1>, vector<128x128xi32>
      %eq3A_321 = arith.cmpi eq, %iota3A_293, %select_n3A_320 : vector<128x128xi32>
      %lt3A_322 = arith.constant 64 : i32
      %lt3A_323 = vector.broadcast %lt3A_322 : i32 to vector<128x128xi32>
      %lt3A_324 = arith.cmpi slt, %iota3A_292, %lt3A_323 : vector<128x128xi32>
      %and3A_325 = arith.andi %eq3A_321, %lt3A_324 : vector<128x128xi1>
      %convert_element_type3A_326 = arith.extui %and3A_325 : vector<128x128xi1> to vector<128x128xi32>
      %convert_element_type3A_327 = arith.sitofp %convert_element_type3A_326 : vector<128x128xi32> to vector<128x128xf32>
      %dot_general3A_328 = arith.constant dense<0.000000e+00> : vector<128x1xf32>
      %dot_general3A_329 = tpu.matmul %convert_element_type3A_327, %add3A_283, %dot_general3A_328 {dimension_numbers = #tpu.dot_dimension_numbers<[1], [1], [0], [0], [0, 0, 1, 0], [], []>, transpose_lhs_hint = false} : vector<128x128xf32>, vector<1x128xf32>, vector<128x1xf32> -> vector<128x1xf32>
      %iota3A_330 = tpu.iota {dimensions = array<i32: 0>} : vector<128x1xi32>
      %jit3A_331 = arith.constant 8 : i32
      %eq3A_332 = arith.constant 0 : i32
      %eq3A_333 = arith.cmpi eq, %jit3A_331, %eq3A_332 : i32
      %jit3A_334 = arith.constant 1 : i32
      %select_n3A_335 = arith.select %eq3A_333, %jit3A_334, %jit3A_331 : i32
      %rem3A_336 = vector.broadcast %select_n3A_335 : i32 to vector<128x1xi32>
      %rem3A_337 = arith.remsi %iota3A_330, %rem3A_336 : vector<128x1xi32>
      %ne3A_338 = arith.constant 0 : i32
      %ne3A_339 = vector.broadcast %ne3A_338 : i32 to vector<128x1xi32>
      %ne3A_340 = arith.cmpi ne, %rem3A_337, %ne3A_339 : vector<128x1xi32>
      %lt3A_341 = arith.constant 0 : i32
      %lt3A_342 = vector.broadcast %lt3A_341 : i32 to vector<128x1xi32>
      %lt3A_343 = arith.cmpi slt, %rem3A_337, %lt3A_342 : vector<128x1xi32>
      %lt3A_344 = arith.constant 0 : i32
      %lt3A_345 = arith.cmpi slt, %select_n3A_335, %lt3A_344 : i32
      %ne3A_346 = vector.broadcast %lt3A_345 : i1 to vector<128x1xi1>
      %ne3A_347 = vector.broadcast %ne3A_346 : vector<128x1xi1> to vector<128x1xi1>
      %ne3A_348 = arith.xori %lt3A_343, %ne3A_347 : vector<128x1xi1>
      %and3A_349 = arith.andi %ne3A_348, %ne3A_340 : vector<128x1xi1>
      %add3A_350 = vector.broadcast %select_n3A_335 : i32 to vector<128x1xi32>
      %add3A_351 = arith.addi %rem3A_337, %add3A_350 : vector<128x1xi32>
      %select_n3A_352 = arith.select %and3A_349, %add3A_351, %rem3A_337 : vector<128x1xi1>, vector<128x1xi32>
      %convert_element_type3A_353 = arith.sitofp %select_n3A_352 : vector<128x1xi32> to vector<128x1xf32>
      %mul3A_354 = arith.constant 5.120000e+02 : f32
      %mul3A_355 = vector.broadcast %mul3A_354 : f32 to vector<128x1xf32>
      %mul3A_356 = arith.mulf %convert_element_type3A_353, %mul3A_355 : vector<128x1xf32>
      %lt3A_357 = arith.cmpf olt, %mul3A_356, %dot_general3A_329 : vector<128x1xf32>
      %lt3A_358 = arith.constant 64 : i32
      %lt3A_359 = vector.broadcast %lt3A_358 : i32 to vector<128x1xi32>
      %lt3A_360 = arith.cmpi slt, %iota3A_330, %lt3A_359 : vector<128x1xi32>
      %and3A_361 = arith.andi %lt3A_357, %lt3A_360 : vector<128x1xi1>
      %convert_element_type3A_362 = arith.extui %and3A_361 : vector<128x1xi1> to vector<128x1xi32>
      %convert_element_type3A_363 = arith.sitofp %convert_element_type3A_362 : vector<128x1xi32> to vector<128x1xf32>
      %lt3A_364 = arith.cmpi slt, %iota3A_293, %iota3A_292 : vector<128x128xi32>
      %convert_element_type3A_365 = arith.extui %lt3A_364 : vector<128x128xi1> to vector<128x128xi32>
      %convert_element_type3A_366 = arith.sitofp %convert_element_type3A_365 : vector<128x128xi32> to vector<128x128xf32>
      %dot_general3A_367 = arith.constant dense<0.000000e+00> : vector<128x1xf32>
      %dot_general3A_368 = tpu.matmul %convert_element_type3A_366, %convert_element_type3A_363, %dot_general3A_367 {dimension_numbers = #tpu.dot_dimension_numbers<[1], [0], [0], [1], [0, 0, 1, 1], [], []>, transpose_lhs_hint = false} : vector<128x128xf32>, vector<128x1xf32>, vector<128x1xf32> -> vector<128x1xf32>
      %convert_element_type3A_369 = arith.sitofp %iota3A_293 : vector<128x128xi32> to vector<128x128xf32>
      %eq3A_370 = vector.broadcast %dot_general3A_368 : vector<128x1xf32> to vector<128x128xf32>
      %eq3A_371 = arith.cmpf oeq, %eq3A_370, %convert_element_type3A_369 : vector<128x128xf32>
      %and3A_372 = vector.broadcast %and3A_361 : vector<128x1xi1> to vector<128x128xi1>
      %and3A_373 = arith.andi %eq3A_371, %and3A_372 : vector<128x128xi1>
      %convert_element_type3A_374 = arith.extui %and3A_373 : vector<128x128xi1> to vector<128x128xi32>
      %convert_element_type3A_375 = arith.sitofp %convert_element_type3A_374 : vector<128x128xi32> to vector<128x128xf32>
      %jit3A_376 = arith.constant 8 : i32
      %div3A_377 = vector.broadcast %jit3A_376 : i32 to vector<128x1xi32>
      %div3A_378 = arith.divsi %iota3A_330, %div3A_377 : vector<128x1xi32>
      %sign3A_379 = arith.constant 0 : i32
      %sign3A_380 = vector.broadcast %sign3A_379 : i32 to vector<128x1xi32>
      %sign3A_381 = arith.cmpi sgt, %iota3A_330, %sign3A_380 : vector<128x1xi32>
      %sign3A_382 = arith.extui %sign3A_381 : vector<128x1xi1> to vector<128x1xi32>
      %sign3A_383 = arith.constant 0 : i32
      %sign3A_384 = vector.broadcast %sign3A_383 : i32 to vector<128x1xi32>
      %sign3A_385 = arith.cmpi slt, %iota3A_330, %sign3A_384 : vector<128x1xi32>
      %sign3A_386 = arith.extui %sign3A_385 : vector<128x1xi1> to vector<128x1xi32>
      %sign3A_387 = arith.subi %sign3A_382, %sign3A_386 : vector<128x1xi32>
      %sign3A_388 = arith.constant 0 : i32
      %sign3A_389 = arith.cmpi sgt, %jit3A_376, %sign3A_388 : i32
      %sign3A_390 = arith.extui %sign3A_389 : i1 to i32
      %sign3A_391 = arith.constant 0 : i32
      %sign3A_392 = arith.cmpi slt, %jit3A_376, %sign3A_391 : i32
      %sign3A_393 = arith.extui %sign3A_392 : i1 to i32
      %sign3A_394 = arith.subi %sign3A_390, %sign3A_393 : i32
      %ne3A_395 = vector.broadcast %sign3A_394 : i32 to vector<128x1xi32>
      %ne3A_396 = arith.cmpi ne, %sign3A_387, %ne3A_395 : vector<128x1xi32>
      %rem3A_397 = vector.broadcast %jit3A_376 : i32 to vector<128x1xi32>
      %rem3A_398 = arith.remsi %iota3A_330, %rem3A_397 : vector<128x1xi32>
      %ne3A_399 = arith.constant 0 : i32
      %ne3A_400 = vector.broadcast %ne3A_399 : i32 to vector<128x1xi32>
      %ne3A_401 = arith.cmpi ne, %rem3A_398, %ne3A_400 : vector<128x1xi32>
      %and3A_402 = arith.andi %ne3A_396, %ne3A_401 : vector<128x1xi1>
      %sub3A_403 = arith.constant 1 : i32
      %sub3A_404 = vector.broadcast %sub3A_403 : i32 to vector<128x1xi32>
      %sub3A_405 = arith.subi %div3A_378, %sub3A_404 : vector<128x1xi32>
      %select_n3A_406 = arith.select %and3A_402, %sub3A_405, %div3A_378 : vector<128x1xi1>, vector<128x1xi32>
      %convert_element_type3A_407 = arith.sitofp %select_n3A_406 : vector<128x1xi32> to vector<128x1xf32>
      %convert_element_type3A_408 = arith.sitofp %iota3A_330 : vector<128x1xi32> to vector<128x1xf32>
      %dot_general3A_409 = arith.constant dense<0.000000e+00> : vector<1x128xf32>
      %dot_general3A_410 = tpu.matmul %convert_element_type3A_407, %convert_element_type3A_375, %dot_general3A_409 {dimension_numbers = #tpu.dot_dimension_numbers<[0], [0], [1], [1], [0, 1, 1, 1], [], []>, transpose_lhs_hint = false} : vector<128x1xf32>, vector<128x128xf32>, vector<1x128xf32> -> vector<1x128xf32>
      %dot_general3A_411 = arith.constant dense<0.000000e+00> : vector<1x128xf32>
      %dot_general3A_412 = tpu.matmul %convert_element_type3A_408, %convert_element_type3A_375, %dot_general3A_411 {dimension_numbers = #tpu.dot_dimension_numbers<[0], [0], [1], [1], [0, 1, 1, 1], [], []>, transpose_lhs_hint = false} : vector<128x1xf32>, vector<128x128xf32>, vector<1x128xf32> -> vector<1x128xf32>
      %broadcast_in_dim3A_413 = arith.constant 0.000000e+00 : f32
      %broadcast_in_dim3A_414 = vector.broadcast %broadcast_in_dim3A_413 : f32 to vector<6x128xf32>
      %concatenate3A_415 = tpu.concatenate %dot_general3A_410, %dot_general3A_412, %broadcast_in_dim3A_414 in 0 : vector<1x128xf32>, vector<1x128xf32>, vector<6x128xf32> -> vector<8x128xf32>
      %convert_element_type3A_416 = arith.fptosi %concatenate3A_415 : vector<8x128xf32> to vector<8x128xi32>
      %swap3A_417 = arith.constant 0 : index
      %swap3A_418 = arith.constant 0 : index
      %swap3A_419 = vector.load %arg10[%swap3A_417, %swap3A_418] : memref<8x128xi32, #tpu.memory_space<vmem>>, vector<8x128xi32>
      tpu.vector_store %arg10[%swap3A_417, %swap3A_418], %convert_element_type3A_416 {strides = array<i32>} : memref<8x128xi32, #tpu.memory_space<vmem>>, vector<8x128xi32>,
    } else {
    }
    return
  }
  func.func @transform_0(%arg0: i32) -> (i32, i32, i32) {
    %c0_i32 = arith.constant 0 : i32
    %c0_i32_0 = arith.constant 0 : i32
    %c0_i32_1 = arith.constant 0 : i32
    return %c0_i32, %arg0, %c0_i32_0 : i32, i32, i32
  }
  func.func @transform_1(%arg0: i32) -> (i32, i32) {
    %c0_i32 = arith.constant 0 : i32
    %c0_i32_0 = arith.constant 0 : i32
    return %arg0, %c0_i32 : i32, i32
  }
  func.func @transform_2(%arg0: i32) -> (i32, i32) {
    %c0_i32 = arith.constant 0 : i32
    %c0_i32_0 = arith.constant 0 : i32
    %c0_i32_1 = arith.constant 0 : i32
    return %c0_i32, %c0_i32_0 : i32, i32
  }
  func.func @transform_3(%arg0: i32) -> (i32, i32) {
    %c0_i32 = arith.constant 0 : i32
    %c0_i32_0 = arith.constant 0 : i32
    %c0_i32_1 = arith.constant 0 : i32
    return %c0_i32, %c0_i32_0 : i32, i32
  }
  func.func @transform_4(%arg0: i32) -> (i32, i32) {
    %c0_i32 = arith.constant 0 : i32
    %c0_i32_0 = arith.constant 0 : i32
    %c0_i32_1 = arith.constant 0 : i32
    return %c0_i32, %c0_i32_0 : i32, i32
  }
  func.func @transform_5(%arg0: i32) -> (i32, i32) {
    %c0_i32 = arith.constant 0 : i32
    %c0_i32_0 = arith.constant 0 : i32
    return %arg0, %c0_i32 : i32, i32
  }
  func.func @transform_6(%arg0: i32) -> (i32, i32, i32) {
    %c0_i32 = arith.constant 0 : i32
    %c0_i32_0 = arith.constant 0 : i32
    %c0_i32_1 = arith.constant 0 : i32
    return %arg0, %c0_i32, %c0_i32_0 : i32, i32, i32
  }
  func.func @transform_7(%arg0: i32) -> (i32, i32) {
    %c0_i32 = arith.constant 0 : i32
    %c0_i32_0 = arith.constant 0 : i32
    return %arg0, %c0_i32 : i32, i32
  }
  func.func @transform_8(%arg0: i32) -> (i32, i32) {
    %c0_i32 = arith.constant 0 : i32
    %c0_i32_0 = arith.constant 0 : i32
    return %arg0, %c0_i32 : i32, i32
  }
  func.func @transform_9(%arg0: i32) -> (i32, i32) {
    %c0_i32 = arith.constant 0 : i32
    %c0_i32_0 = arith.constant 0 : i32
    %c0_i32_1 = arith.constant 0 : i32
    return %c0_i32, %c0_i32_0 : i32, i32
  }
}

module attributes {stable_mosaic.version = 14 : i64} {
  func.func @_moe2_kernel(%arg0: i32, %arg1: memref<128xi32, #tpu.memory_space<smem>>, %arg2: memref<128xi32, #tpu.memory_space<smem>>, %arg3: memref<512x8x128xf32, #tpu.memory_space<vmem>>, %arg4: memref<1x1024x512xbf16, #tpu.memory_space<vmem>>, %arg5: memref<1x1024x512xbf16, #tpu.memory_space<vmem>>, %arg6: memref<1x512x1024xbf16, #tpu.memory_space<vmem>>, %arg7: memref<512x8x128xf32, #tpu.memory_space<vmem>>) attributes {dimension_semantics = [#tpu.dimension_semantics<arbitrary>], iteration_bounds = array<i64: 23>, scalar_prefetch = 2 : i64, scratch_operands = 0 : i64, tpu.core_type = #tpu.core_type<tc>, window_params = [{transform_indices = @transform_0, window_bounds = array<i64: 512, 8, 128>}, {transform_indices = @transform_1, window_bounds = array<i64: 1, 1024, 512>}, {transform_indices = @transform_2, window_bounds = array<i64: 1, 1024, 512>}, {transform_indices = @transform_3, window_bounds = array<i64: 1, 512, 1024>}, {transform_indices = @transform_4, window_bounds = array<i64: 512, 8, 128>}]} {
    %get3A = arith.constant 0 : index
    %get3A_0 = arith.constant 0 : index
    %get3A_1 = arith.constant 0 : index
    %get3A_2 = vector.load %arg3[%get3A, %get3A_0, %get3A_1] : memref<512x8x128xf32, #tpu.memory_space<vmem>>, vector<512x1x128xf32>
    %get3A_3 = vector.shape_cast %get3A_2 : vector<512x1x128xf32> to vector<512x128xf32>
    %get3A_4 = arith.constant 0 : index
    %get3A_5 = arith.constant 1 : index
    %get3A_6 = arith.constant 0 : index
    %get3A_7 = vector.load %arg3[%get3A_4, %get3A_5, %get3A_6] : memref<512x8x128xf32, #tpu.memory_space<vmem>>, vector<512x1x128xf32>
    %get3A_8 = vector.shape_cast %get3A_7 : vector<512x1x128xf32> to vector<512x128xf32>
    %get3A_9 = arith.constant 0 : index
    %get3A_10 = arith.constant 2 : index
    %get3A_11 = arith.constant 0 : index
    %get3A_12 = vector.load %arg3[%get3A_9, %get3A_10, %get3A_11] : memref<512x8x128xf32, #tpu.memory_space<vmem>>, vector<512x1x128xf32>
    %get3A_13 = vector.shape_cast %get3A_12 : vector<512x1x128xf32> to vector<512x128xf32>
    %get3A_14 = arith.constant 0 : index
    %get3A_15 = arith.constant 3 : index
    %get3A_16 = arith.constant 0 : index
    %get3A_17 = vector.load %arg3[%get3A_14, %get3A_15, %get3A_16] : memref<512x8x128xf32, #tpu.memory_space<vmem>>, vector<512x1x128xf32>
    %get3A_18 = vector.shape_cast %get3A_17 : vector<512x1x128xf32> to vector<512x128xf32>
    %get3A_19 = arith.constant 0 : index
    %get3A_20 = arith.constant 4 : index
    %get3A_21 = arith.constant 0 : index
    %get3A_22 = vector.load %arg3[%get3A_19, %get3A_20, %get3A_21] : memref<512x8x128xf32, #tpu.memory_space<vmem>>, vector<512x1x128xf32>
    %get3A_23 = vector.shape_cast %get3A_22 : vector<512x1x128xf32> to vector<512x128xf32>
    %get3A_24 = arith.constant 0 : index
    %get3A_25 = arith.constant 5 : index
    %get3A_26 = arith.constant 0 : index
    %get3A_27 = vector.load %arg3[%get3A_24, %get3A_25, %get3A_26] : memref<512x8x128xf32, #tpu.memory_space<vmem>>, vector<512x1x128xf32>
    %get3A_28 = vector.shape_cast %get3A_27 : vector<512x1x128xf32> to vector<512x128xf32>
    %get3A_29 = arith.constant 0 : index
    %get3A_30 = arith.constant 6 : index
    %get3A_31 = arith.constant 0 : index
    %get3A_32 = vector.load %arg3[%get3A_29, %get3A_30, %get3A_31] : memref<512x8x128xf32, #tpu.memory_space<vmem>>, vector<512x1x128xf32>
    %get3A_33 = vector.shape_cast %get3A_32 : vector<512x1x128xf32> to vector<512x128xf32>
    %get3A_34 = arith.constant 0 : index
    %get3A_35 = arith.constant 7 : index
    %get3A_36 = arith.constant 0 : index
    %get3A_37 = vector.load %arg3[%get3A_34, %get3A_35, %get3A_36] : memref<512x8x128xf32, #tpu.memory_space<vmem>>, vector<512x1x128xf32>
    %get3A_38 = vector.shape_cast %get3A_37 : vector<512x1x128xf32> to vector<512x128xf32>
    %concatenate3A = tpu.concatenate %get3A_3, %get3A_8, %get3A_13, %get3A_18, %get3A_23, %get3A_28, %get3A_33, %get3A_38 in 1 : vector<512x128xf32>, vector<512x128xf32>, vector<512x128xf32>, vector<512x128xf32>, vector<512x128xf32>, vector<512x128xf32>, vector<512x128xf32>, vector<512x128xf32> -> vector<512x1024xf32>
    %convert_element_type3A = arith.truncf %concatenate3A : vector<512x1024xf32> to vector<512x1024xbf16>
    %get3A_39 = arith.constant 0 : index
    %get3A_40 = arith.constant 0 : index
    %get3A_41 = arith.constant 0 : index
    %get3A_42 = vector.load %arg4[%get3A_39, %get3A_40, %get3A_41] : memref<1x1024x512xbf16, #tpu.memory_space<vmem>>, vector<1x1024x512xbf16>
    %get3A_43 = vector.shape_cast %get3A_42 : vector<1x1024x512xbf16> to vector<1024x512xbf16>
    %dot_general3A = arith.constant dense<0.000000e+00> : vector<512x512xf32>
    %dot_general3A_44 = tpu.matmul %convert_element_type3A, %get3A_43, %dot_general3A {dimension_numbers = #tpu.dot_dimension_numbers<[1], [0], [0], [1], [0, 0, 1, 1], [], []>, transpose_lhs_hint = false} : vector<512x1024xbf16>, vector<1024x512xbf16>, vector<512x512xf32> -> vector<512x512xf32>
    %get3A_45 = arith.constant 0 : index
    %get3A_46 = arith.constant 0 : index
    %get3A_47 = arith.constant 0 : index
    %get3A_48 = vector.load %arg5[%get3A_45, %get3A_46, %get3A_47] : memref<1x1024x512xbf16, #tpu.memory_space<vmem>>, vector<1x1024x512xbf16>
    %get3A_49 = vector.shape_cast %get3A_48 : vector<1x1024x512xbf16> to vector<1024x512xbf16>
    %dot_general3A_50 = arith.constant dense<0.000000e+00> : vector<512x512xf32>
    %dot_general3A_51 = tpu.matmul %convert_element_type3A, %get3A_49, %dot_general3A_50 {dimension_numbers = #tpu.dot_dimension_numbers<[1], [0], [0], [1], [0, 0, 1, 1], [], []>, transpose_lhs_hint = false} : vector<512x1024xbf16>, vector<1024x512xbf16>, vector<512x512xf32> -> vector<512x512xf32>
    %logistic3A = arith.negf %dot_general3A_44 : vector<512x512xf32>
    %logistic3A_52 = math.exp %logistic3A : vector<512x512xf32>
    %logistic3A_53 = arith.constant 1.000000e+00 : f32
    %logistic3A_54 = vector.broadcast %logistic3A_53 : f32 to vector<512x512xf32>
    %logistic3A_55 = arith.addf %logistic3A_54, %logistic3A_52 : vector<512x512xf32>
    %logistic3A_56 = arith.divf %logistic3A_54, %logistic3A_55 : vector<512x512xf32>
    %mul3A = arith.mulf %dot_general3A_44, %logistic3A_56 : vector<512x512xf32>
    %mul3A_57 = arith.mulf %mul3A, %dot_general3A_51 : vector<512x512xf32>
    %convert_element_type3A_58 = arith.truncf %mul3A_57 : vector<512x512xf32> to vector<512x512xbf16>
    %get3A_59 = arith.constant 0 : index
    %get3A_60 = arith.constant 0 : index
    %get3A_61 = arith.constant 0 : index
    %get3A_62 = vector.load %arg6[%get3A_59, %get3A_60, %get3A_61] : memref<1x512x1024xbf16, #tpu.memory_space<vmem>>, vector<1x512x1024xbf16>
    %get3A_63 = vector.shape_cast %get3A_62 : vector<1x512x1024xbf16> to vector<512x1024xbf16>
    %dot_general3A_64 = arith.constant dense<0.000000e+00> : vector<512x1024xf32>
    %dot_general3A_65 = tpu.matmul %convert_element_type3A_58, %get3A_63, %dot_general3A_64 {dimension_numbers = #tpu.dot_dimension_numbers<[1], [0], [0], [1], [0, 0, 1, 1], [], []>, transpose_lhs_hint = false} : vector<512x512xbf16>, vector<512x1024xbf16>, vector<512x1024xf32> -> vector<512x1024xf32>
    %slice3A = vector.extract_strided_slice %dot_general3A_65 {offsets = [0, 0], sizes = [512, 128], strides = [1, 1]} : vector<512x1024xf32> to vector<512x128xf32>
    %swap3A = arith.constant 0 : index
    %swap3A_66 = arith.constant 0 : index
    %swap3A_67 = arith.constant 0 : index
    %swap3A_68 = vector.load %arg7[%swap3A, %swap3A_66, %swap3A_67] : memref<512x8x128xf32, #tpu.memory_space<vmem>>, vector<512x1x128xf32>
    %swap3A_69 = vector.shape_cast %swap3A_68 : vector<512x1x128xf32> to vector<512x128xf32>
    %swap3A_70 = vector.shape_cast %slice3A : vector<512x128xf32> to vector<512x1x128xf32>
    tpu.vector_store %arg7[%swap3A, %swap3A_66, %swap3A_67], %swap3A_70 {strides = array<i32>} : memref<512x8x128xf32, #tpu.memory_space<vmem>>, vector<512x1x128xf32>,
    %slice3A_71 = vector.extract_strided_slice %dot_general3A_65 {offsets = [0, 128], sizes = [512, 128], strides = [1, 1]} : vector<512x1024xf32> to vector<512x128xf32>
    %swap3A_72 = arith.constant 0 : index
    %swap3A_73 = arith.constant 1 : index
    %swap3A_74 = arith.constant 0 : index
    %swap3A_75 = vector.load %arg7[%swap3A_72, %swap3A_73, %swap3A_74] : memref<512x8x128xf32, #tpu.memory_space<vmem>>, vector<512x1x128xf32>
    %swap3A_76 = vector.shape_cast %swap3A_75 : vector<512x1x128xf32> to vector<512x128xf32>
    %swap3A_77 = vector.shape_cast %slice3A_71 : vector<512x128xf32> to vector<512x1x128xf32>
    tpu.vector_store %arg7[%swap3A_72, %swap3A_73, %swap3A_74], %swap3A_77 {strides = array<i32>} : memref<512x8x128xf32, #tpu.memory_space<vmem>>, vector<512x1x128xf32>,
    %slice3A_78 = vector.extract_strided_slice %dot_general3A_65 {offsets = [0, 256], sizes = [512, 128], strides = [1, 1]} : vector<512x1024xf32> to vector<512x128xf32>
    %swap3A_79 = arith.constant 0 : index
    %swap3A_80 = arith.constant 2 : index
    %swap3A_81 = arith.constant 0 : index
    %swap3A_82 = vector.load %arg7[%swap3A_79, %swap3A_80, %swap3A_81] : memref<512x8x128xf32, #tpu.memory_space<vmem>>, vector<512x1x128xf32>
    %swap3A_83 = vector.shape_cast %swap3A_82 : vector<512x1x128xf32> to vector<512x128xf32>
    %swap3A_84 = vector.shape_cast %slice3A_78 : vector<512x128xf32> to vector<512x1x128xf32>
    tpu.vector_store %arg7[%swap3A_79, %swap3A_80, %swap3A_81], %swap3A_84 {strides = array<i32>} : memref<512x8x128xf32, #tpu.memory_space<vmem>>, vector<512x1x128xf32>,
    %slice3A_85 = vector.extract_strided_slice %dot_general3A_65 {offsets = [0, 384], sizes = [512, 128], strides = [1, 1]} : vector<512x1024xf32> to vector<512x128xf32>
    %swap3A_86 = arith.constant 0 : index
    %swap3A_87 = arith.constant 3 : index
    %swap3A_88 = arith.constant 0 : index
    %swap3A_89 = vector.load %arg7[%swap3A_86, %swap3A_87, %swap3A_88] : memref<512x8x128xf32, #tpu.memory_space<vmem>>, vector<512x1x128xf32>
    %swap3A_90 = vector.shape_cast %swap3A_89 : vector<512x1x128xf32> to vector<512x128xf32>
    %swap3A_91 = vector.shape_cast %slice3A_85 : vector<512x128xf32> to vector<512x1x128xf32>
    tpu.vector_store %arg7[%swap3A_86, %swap3A_87, %swap3A_88], %swap3A_91 {strides = array<i32>} : memref<512x8x128xf32, #tpu.memory_space<vmem>>, vector<512x1x128xf32>,
    %slice3A_92 = vector.extract_strided_slice %dot_general3A_65 {offsets = [0, 512], sizes = [512, 128], strides = [1, 1]} : vector<512x1024xf32> to vector<512x128xf32>
    %swap3A_93 = arith.constant 0 : index
    %swap3A_94 = arith.constant 4 : index
    %swap3A_95 = arith.constant 0 : index
    %swap3A_96 = vector.load %arg7[%swap3A_93, %swap3A_94, %swap3A_95] : memref<512x8x128xf32, #tpu.memory_space<vmem>>, vector<512x1x128xf32>
    %swap3A_97 = vector.shape_cast %swap3A_96 : vector<512x1x128xf32> to vector<512x128xf32>
    %swap3A_98 = vector.shape_cast %slice3A_92 : vector<512x128xf32> to vector<512x1x128xf32>
    tpu.vector_store %arg7[%swap3A_93, %swap3A_94, %swap3A_95], %swap3A_98 {strides = array<i32>} : memref<512x8x128xf32, #tpu.memory_space<vmem>>, vector<512x1x128xf32>,
    %slice3A_99 = vector.extract_strided_slice %dot_general3A_65 {offsets = [0, 640], sizes = [512, 128], strides = [1, 1]} : vector<512x1024xf32> to vector<512x128xf32>
    %swap3A_100 = arith.constant 0 : index
    %swap3A_101 = arith.constant 5 : index
    %swap3A_102 = arith.constant 0 : index
    %swap3A_103 = vector.load %arg7[%swap3A_100, %swap3A_101, %swap3A_102] : memref<512x8x128xf32, #tpu.memory_space<vmem>>, vector<512x1x128xf32>
    %swap3A_104 = vector.shape_cast %swap3A_103 : vector<512x1x128xf32> to vector<512x128xf32>
    %swap3A_105 = vector.shape_cast %slice3A_99 : vector<512x128xf32> to vector<512x1x128xf32>
    tpu.vector_store %arg7[%swap3A_100, %swap3A_101, %swap3A_102], %swap3A_105 {strides = array<i32>} : memref<512x8x128xf32, #tpu.memory_space<vmem>>, vector<512x1x128xf32>,
    %slice3A_106 = vector.extract_strided_slice %dot_general3A_65 {offsets = [0, 768], sizes = [512, 128], strides = [1, 1]} : vector<512x1024xf32> to vector<512x128xf32>
    %swap3A_107 = arith.constant 0 : index
    %swap3A_108 = arith.constant 6 : index
    %swap3A_109 = arith.constant 0 : index
    %swap3A_110 = vector.load %arg7[%swap3A_107, %swap3A_108, %swap3A_109] : memref<512x8x128xf32, #tpu.memory_space<vmem>>, vector<512x1x128xf32>
    %swap3A_111 = vector.shape_cast %swap3A_110 : vector<512x1x128xf32> to vector<512x128xf32>
    %swap3A_112 = vector.shape_cast %slice3A_106 : vector<512x128xf32> to vector<512x1x128xf32>
    tpu.vector_store %arg7[%swap3A_107, %swap3A_108, %swap3A_109], %swap3A_112 {strides = array<i32>} : memref<512x8x128xf32, #tpu.memory_space<vmem>>, vector<512x1x128xf32>,
    %slice3A_113 = vector.extract_strided_slice %dot_general3A_65 {offsets = [0, 896], sizes = [512, 128], strides = [1, 1]} : vector<512x1024xf32> to vector<512x128xf32>
    %swap3A_114 = arith.constant 0 : index
    %swap3A_115 = arith.constant 7 : index
    %swap3A_116 = arith.constant 0 : index
    %swap3A_117 = vector.load %arg7[%swap3A_114, %swap3A_115, %swap3A_116] : memref<512x8x128xf32, #tpu.memory_space<vmem>>, vector<512x1x128xf32>
    %swap3A_118 = vector.shape_cast %swap3A_117 : vector<512x1x128xf32> to vector<512x128xf32>
    %swap3A_119 = vector.shape_cast %slice3A_113 : vector<512x128xf32> to vector<512x1x128xf32>
    tpu.vector_store %arg7[%swap3A_114, %swap3A_115, %swap3A_116], %swap3A_119 {strides = array<i32>} : memref<512x8x128xf32, #tpu.memory_space<vmem>>, vector<512x1x128xf32>,
    return
  }
  func.func @transform_0(%arg0: i32, %arg1: memref<128xi32, #tpu.memory_space<smem>>, %arg2: memref<128xi32, #tpu.memory_space<smem>>) -> (i32, i32, i32) {
    %get3A = arith.index_cast %arg0 : i32 to index
    %get3A_0 = memref.load %arg2[%get3A] : memref<128xi32, #tpu.memory_space<smem>>
    %c0_i32 = arith.constant 0 : i32
    %c0_i32_1 = arith.constant 0 : i32
    %c0_i32_2 = arith.constant 0 : i32
    return %get3A_0, %c0_i32, %c0_i32_1 : i32, i32, i32
  }
  func.func @transform_1(%arg0: i32, %arg1: memref<128xi32, #tpu.memory_space<smem>>, %arg2: memref<128xi32, #tpu.memory_space<smem>>) -> (i32, i32, i32) {
    %get3A = arith.index_cast %arg0 : i32 to index
    %get3A_0 = memref.load %arg1[%get3A] : memref<128xi32, #tpu.memory_space<smem>>
    %c0_i32 = arith.constant 0 : i32
    %c0_i32_1 = arith.constant 0 : i32
    %c0_i32_2 = arith.constant 0 : i32
    return %get3A_0, %c0_i32, %c0_i32_1 : i32, i32, i32
  }
  func.func @transform_2(%arg0: i32, %arg1: memref<128xi32, #tpu.memory_space<smem>>, %arg2: memref<128xi32, #tpu.memory_space<smem>>) -> (i32, i32, i32) {
    %get3A = arith.index_cast %arg0 : i32 to index
    %get3A_0 = memref.load %arg1[%get3A] : memref<128xi32, #tpu.memory_space<smem>>
    %c0_i32 = arith.constant 0 : i32
    %c0_i32_1 = arith.constant 0 : i32
    %c0_i32_2 = arith.constant 0 : i32
    return %get3A_0, %c0_i32, %c0_i32_1 : i32, i32, i32
  }
  func.func @transform_3(%arg0: i32, %arg1: memref<128xi32, #tpu.memory_space<smem>>, %arg2: memref<128xi32, #tpu.memory_space<smem>>) -> (i32, i32, i32) {
    %get3A = arith.index_cast %arg0 : i32 to index
    %get3A_0 = memref.load %arg1[%get3A] : memref<128xi32, #tpu.memory_space<smem>>
    %c0_i32 = arith.constant 0 : i32
    %c0_i32_1 = arith.constant 0 : i32
    %c0_i32_2 = arith.constant 0 : i32
    return %get3A_0, %c0_i32, %c0_i32_1 : i32, i32, i32
  }
  func.func @transform_4(%arg0: i32, %arg1: memref<128xi32, #tpu.memory_space<smem>>, %arg2: memref<128xi32, #tpu.memory_space<smem>>) -> (i32, i32, i32) {
    %get3A = arith.index_cast %arg0 : i32 to index
    %get3A_0 = memref.load %arg2[%get3A] : memref<128xi32, #tpu.memory_space<smem>>
    %c0_i32 = arith.constant 0 : i32
    %c0_i32_1 = arith.constant 0 : i32
    %c0_i32_2 = arith.constant 0 : i32
    return %get3A_0, %c0_i32, %c0_i32_1 : i32, i32, i32
  }
}

module attributes {stable_mosaic.version = 14 : i64} {
  func.func @_comb_kernel(%arg0: i32, %arg1: memref<512x1024xf32, #tpu.memory_space<vmem>>, %arg2: memref<512x8x128xf32, #tpu.memory_space<vmem>>, %arg3: memref<512x8x128xf32, #tpu.memory_space<vmem>>, %arg4: memref<512x128xf32, #tpu.memory_space<vmem>>, %arg5: memref<512x1024xf32, #tpu.memory_space<vmem>>) attributes {dimension_semantics = [#tpu.dimension_semantics<arbitrary>], iteration_bounds = array<i64: 8>, scalar_prefetch = 0 : i64, scratch_operands = 0 : i64, tpu.core_type = #tpu.core_type<tc>, window_params = [{transform_indices = @transform_0, window_bounds = array<i64: 512, 1024>}, {transform_indices = @transform_1, window_bounds = array<i64: 512, 8, 128>}, {transform_indices = @transform_2, window_bounds = array<i64: 512, 8, 128>}, {transform_indices = @transform_3, window_bounds = array<i64: 512, 128>}, {transform_indices = @transform_4, window_bounds = array<i64: 512, 1024>}]} {
    %get3A = arith.constant 0 : index
    %get3A_0 = arith.constant 0 : index
    %get3A_1 = vector.load %arg4[%get3A, %get3A_0] : memref<512x128xf32, #tpu.memory_space<vmem>>, vector<512x128xf32>
    %slice3A = vector.extract_strided_slice %get3A_1 {offsets = [0, 0], sizes = [512, 1], strides = [1, 1]} : vector<512x128xf32> to vector<512x1xf32>
    %slice3A_2 = vector.extract_strided_slice %get3A_1 {offsets = [0, 1], sizes = [512, 1], strides = [1, 1]} : vector<512x128xf32> to vector<512x1xf32>
    %get3A_3 = arith.constant 0 : index
    %get3A_4 = arith.constant 0 : index
    %get3A_5 = vector.load %arg1[%get3A_3, %get3A_4] : memref<512x1024xf32, #tpu.memory_space<vmem>>, vector<512x128xf32>
    %get3A_6 = arith.constant 0 : index
    %get3A_7 = arith.constant 0 : index
    %get3A_8 = arith.constant 0 : index
    %get3A_9 = vector.load %arg2[%get3A_6, %get3A_7, %get3A_8] : memref<512x8x128xf32, #tpu.memory_space<vmem>>, vector<512x1x128xf32>
    %get3A_10 = vector.shape_cast %get3A_9 : vector<512x1x128xf32> to vector<512x128xf32>
    %mul3A = vector.broadcast %slice3A : vector<512x1xf32> to vector<512x128xf32>
    %mul3A_11 = arith.mulf %mul3A, %get3A_10 : vector<512x128xf32>
    %add3A = arith.addf %get3A_5, %mul3A_11 : vector<512x128xf32>
    %get3A_12 = arith.constant 0 : index
    %get3A_13 = arith.constant 0 : index
    %get3A_14 = arith.constant 0 : index
    %get3A_15 = vector.load %arg3[%get3A_12, %get3A_13, %get3A_14] : memref<512x8x128xf32, #tpu.memory_space<vmem>>, vector<512x1x128xf32>
    %get3A_16 = vector.shape_cast %get3A_15 : vector<512x1x128xf32> to vector<512x128xf32>
    %mul3A_17 = vector.broadcast %slice3A_2 : vector<512x1xf32> to vector<512x128xf32>
    %mul3A_18 = arith.mulf %mul3A_17, %get3A_16 : vector<512x128xf32>
    %add3A_19 = arith.addf %add3A, %mul3A_18 : vector<512x128xf32>
    %swap3A = arith.constant 0 : index
    %swap3A_20 = arith.constant 0 : index
    %swap3A_21 = vector.load %arg5[%swap3A, %swap3A_20] : memref<512x1024xf32, #tpu.memory_space<vmem>>, vector<512x128xf32>
    tpu.vector_store %arg5[%swap3A, %swap3A_20], %add3A_19 {strides = array<i32>} : memref<512x1024xf32, #tpu.memory_space<vmem>>, vector<512x128xf32>,
    %get3A_22 = arith.constant 0 : index
    %get3A_23 = arith.constant 128 : index
    %get3A_24 = vector.load %arg1[%get3A_22, %get3A_23] : memref<512x1024xf32, #tpu.memory_space<vmem>>, vector<512x128xf32>
    %get3A_25 = arith.constant 0 : index
    %get3A_26 = arith.constant 1 : index
    %get3A_27 = arith.constant 0 : index
    %get3A_28 = vector.load %arg2[%get3A_25, %get3A_26, %get3A_27] : memref<512x8x128xf32, #tpu.memory_space<vmem>>, vector<512x1x128xf32>
    %get3A_29 = vector.shape_cast %get3A_28 : vector<512x1x128xf32> to vector<512x128xf32>
    %mul3A_30 = vector.broadcast %slice3A : vector<512x1xf32> to vector<512x128xf32>
    %mul3A_31 = arith.mulf %mul3A_30, %get3A_29 : vector<512x128xf32>
    %add3A_32 = arith.addf %get3A_24, %mul3A_31 : vector<512x128xf32>
    %get3A_33 = arith.constant 0 : index
    %get3A_34 = arith.constant 1 : index
    %get3A_35 = arith.constant 0 : index
    %get3A_36 = vector.load %arg3[%get3A_33, %get3A_34, %get3A_35] : memref<512x8x128xf32, #tpu.memory_space<vmem>>, vector<512x1x128xf32>
    %get3A_37 = vector.shape_cast %get3A_36 : vector<512x1x128xf32> to vector<512x128xf32>
    %mul3A_38 = vector.broadcast %slice3A_2 : vector<512x1xf32> to vector<512x128xf32>
    %mul3A_39 = arith.mulf %mul3A_38, %get3A_37 : vector<512x128xf32>
    %add3A_40 = arith.addf %add3A_32, %mul3A_39 : vector<512x128xf32>
    %swap3A_41 = arith.constant 0 : index
    %swap3A_42 = arith.constant 128 : index
    %swap3A_43 = vector.load %arg5[%swap3A_41, %swap3A_42] : memref<512x1024xf32, #tpu.memory_space<vmem>>, vector<512x128xf32>
    tpu.vector_store %arg5[%swap3A_41, %swap3A_42], %add3A_40 {strides = array<i32>} : memref<512x1024xf32, #tpu.memory_space<vmem>>, vector<512x128xf32>,
    %get3A_44 = arith.constant 0 : index
    %get3A_45 = arith.constant 256 : index
    %get3A_46 = vector.load %arg1[%get3A_44, %get3A_45] : memref<512x1024xf32, #tpu.memory_space<vmem>>, vector<512x128xf32>
    %get3A_47 = arith.constant 0 : index
    %get3A_48 = arith.constant 2 : index
    %get3A_49 = arith.constant 0 : index
    %get3A_50 = vector.load %arg2[%get3A_47, %get3A_48, %get3A_49] : memref<512x8x128xf32, #tpu.memory_space<vmem>>, vector<512x1x128xf32>
    %get3A_51 = vector.shape_cast %get3A_50 : vector<512x1x128xf32> to vector<512x128xf32>
    %mul3A_52 = vector.broadcast %slice3A : vector<512x1xf32> to vector<512x128xf32>
    %mul3A_53 = arith.mulf %mul3A_52, %get3A_51 : vector<512x128xf32>
    %add3A_54 = arith.addf %get3A_46, %mul3A_53 : vector<512x128xf32>
    %get3A_55 = arith.constant 0 : index
    %get3A_56 = arith.constant 2 : index
    %get3A_57 = arith.constant 0 : index
    %get3A_58 = vector.load %arg3[%get3A_55, %get3A_56, %get3A_57] : memref<512x8x128xf32, #tpu.memory_space<vmem>>, vector<512x1x128xf32>
    %get3A_59 = vector.shape_cast %get3A_58 : vector<512x1x128xf32> to vector<512x128xf32>
    %mul3A_60 = vector.broadcast %slice3A_2 : vector<512x1xf32> to vector<512x128xf32>
    %mul3A_61 = arith.mulf %mul3A_60, %get3A_59 : vector<512x128xf32>
    %add3A_62 = arith.addf %add3A_54, %mul3A_61 : vector<512x128xf32>
    %swap3A_63 = arith.constant 0 : index
    %swap3A_64 = arith.constant 256 : index
    %swap3A_65 = vector.load %arg5[%swap3A_63, %swap3A_64] : memref<512x1024xf32, #tpu.memory_space<vmem>>, vector<512x128xf32>
    tpu.vector_store %arg5[%swap3A_63, %swap3A_64], %add3A_62 {strides = array<i32>} : memref<512x1024xf32, #tpu.memory_space<vmem>>, vector<512x128xf32>,
    %get3A_66 = arith.constant 0 : index
    %get3A_67 = arith.constant 384 : index
    %get3A_68 = vector.load %arg1[%get3A_66, %get3A_67] : memref<512x1024xf32, #tpu.memory_space<vmem>>, vector<512x128xf32>
    %get3A_69 = arith.constant 0 : index
    %get3A_70 = arith.constant 3 : index
    %get3A_71 = arith.constant 0 : index
    %get3A_72 = vector.load %arg2[%get3A_69, %get3A_70, %get3A_71] : memref<512x8x128xf32, #tpu.memory_space<vmem>>, vector<512x1x128xf32>
    %get3A_73 = vector.shape_cast %get3A_72 : vector<512x1x128xf32> to vector<512x128xf32>
    %mul3A_74 = vector.broadcast %slice3A : vector<512x1xf32> to vector<512x128xf32>
    %mul3A_75 = arith.mulf %mul3A_74, %get3A_73 : vector<512x128xf32>
    %add3A_76 = arith.addf %get3A_68, %mul3A_75 : vector<512x128xf32>
    %get3A_77 = arith.constant 0 : index
    %get3A_78 = arith.constant 3 : index
    %get3A_79 = arith.constant 0 : index
    %get3A_80 = vector.load %arg3[%get3A_77, %get3A_78, %get3A_79] : memref<512x8x128xf32, #tpu.memory_space<vmem>>, vector<512x1x128xf32>
    %get3A_81 = vector.shape_cast %get3A_80 : vector<512x1x128xf32> to vector<512x128xf32>
    %mul3A_82 = vector.broadcast %slice3A_2 : vector<512x1xf32> to vector<512x128xf32>
    %mul3A_83 = arith.mulf %mul3A_82, %get3A_81 : vector<512x128xf32>
    %add3A_84 = arith.addf %add3A_76, %mul3A_83 : vector<512x128xf32>
    %swap3A_85 = arith.constant 0 : index
    %swap3A_86 = arith.constant 384 : index
    %swap3A_87 = vector.load %arg5[%swap3A_85, %swap3A_86] : memref<512x1024xf32, #tpu.memory_space<vmem>>, vector<512x128xf32>
    tpu.vector_store %arg5[%swap3A_85, %swap3A_86], %add3A_84 {strides = array<i32>} : memref<512x1024xf32, #tpu.memory_space<vmem>>, vector<512x128xf32>,
    %get3A_88 = arith.constant 0 : index
    %get3A_89 = arith.constant 512 : index
    %get3A_90 = vector.load %arg1[%get3A_88, %get3A_89] : memref<512x1024xf32, #tpu.memory_space<vmem>>, vector<512x128xf32>
    %get3A_91 = arith.constant 0 : index
    %get3A_92 = arith.constant 4 : index
    %get3A_93 = arith.constant 0 : index
    %get3A_94 = vector.load %arg2[%get3A_91, %get3A_92, %get3A_93] : memref<512x8x128xf32, #tpu.memory_space<vmem>>, vector<512x1x128xf32>
    %get3A_95 = vector.shape_cast %get3A_94 : vector<512x1x128xf32> to vector<512x128xf32>
    %mul3A_96 = vector.broadcast %slice3A : vector<512x1xf32> to vector<512x128xf32>
    %mul3A_97 = arith.mulf %mul3A_96, %get3A_95 : vector<512x128xf32>
    %add3A_98 = arith.addf %get3A_90, %mul3A_97 : vector<512x128xf32>
    %get3A_99 = arith.constant 0 : index
    %get3A_100 = arith.constant 4 : index
    %get3A_101 = arith.constant 0 : index
    %get3A_102 = vector.load %arg3[%get3A_99, %get3A_100, %get3A_101] : memref<512x8x128xf32, #tpu.memory_space<vmem>>, vector<512x1x128xf32>
    %get3A_103 = vector.shape_cast %get3A_102 : vector<512x1x128xf32> to vector<512x128xf32>
    %mul3A_104 = vector.broadcast %slice3A_2 : vector<512x1xf32> to vector<512x128xf32>
    %mul3A_105 = arith.mulf %mul3A_104, %get3A_103 : vector<512x128xf32>
    %add3A_106 = arith.addf %add3A_98, %mul3A_105 : vector<512x128xf32>
    %swap3A_107 = arith.constant 0 : index
    %swap3A_108 = arith.constant 512 : index
    %swap3A_109 = vector.load %arg5[%swap3A_107, %swap3A_108] : memref<512x1024xf32, #tpu.memory_space<vmem>>, vector<512x128xf32>
    tpu.vector_store %arg5[%swap3A_107, %swap3A_108], %add3A_106 {strides = array<i32>} : memref<512x1024xf32, #tpu.memory_space<vmem>>, vector<512x128xf32>,
    %get3A_110 = arith.constant 0 : index
    %get3A_111 = arith.constant 640 : index
    %get3A_112 = vector.load %arg1[%get3A_110, %get3A_111] : memref<512x1024xf32, #tpu.memory_space<vmem>>, vector<512x128xf32>
    %get3A_113 = arith.constant 0 : index
    %get3A_114 = arith.constant 5 : index
    %get3A_115 = arith.constant 0 : index
    %get3A_116 = vector.load %arg2[%get3A_113, %get3A_114, %get3A_115] : memref<512x8x128xf32, #tpu.memory_space<vmem>>, vector<512x1x128xf32>
    %get3A_117 = vector.shape_cast %get3A_116 : vector<512x1x128xf32> to vector<512x128xf32>
    %mul3A_118 = vector.broadcast %slice3A : vector<512x1xf32> to vector<512x128xf32>
    %mul3A_119 = arith.mulf %mul3A_118, %get3A_117 : vector<512x128xf32>
    %add3A_120 = arith.addf %get3A_112, %mul3A_119 : vector<512x128xf32>
    %get3A_121 = arith.constant 0 : index
    %get3A_122 = arith.constant 5 : index
    %get3A_123 = arith.constant 0 : index
    %get3A_124 = vector.load %arg3[%get3A_121, %get3A_122, %get3A_123] : memref<512x8x128xf32, #tpu.memory_space<vmem>>, vector<512x1x128xf32>
    %get3A_125 = vector.shape_cast %get3A_124 : vector<512x1x128xf32> to vector<512x128xf32>
    %mul3A_126 = vector.broadcast %slice3A_2 : vector<512x1xf32> to vector<512x128xf32>
    %mul3A_127 = arith.mulf %mul3A_126, %get3A_125 : vector<512x128xf32>
    %add3A_128 = arith.addf %add3A_120, %mul3A_127 : vector<512x128xf32>
    %swap3A_129 = arith.constant 0 : index
    %swap3A_130 = arith.constant 640 : index
    %swap3A_131 = vector.load %arg5[%swap3A_129, %swap3A_130] : memref<512x1024xf32, #tpu.memory_space<vmem>>, vector<512x128xf32>
    tpu.vector_store %arg5[%swap3A_129, %swap3A_130], %add3A_128 {strides = array<i32>} : memref<512x1024xf32, #tpu.memory_space<vmem>>, vector<512x128xf32>,
    %get3A_132 = arith.constant 0 : index
    %get3A_133 = arith.constant 768 : index
    %get3A_134 = vector.load %arg1[%get3A_132, %get3A_133] : memref<512x1024xf32, #tpu.memory_space<vmem>>, vector<512x128xf32>
    %get3A_135 = arith.constant 0 : index
    %get3A_136 = arith.constant 6 : index
    %get3A_137 = arith.constant 0 : index
    %get3A_138 = vector.load %arg2[%get3A_135, %get3A_136, %get3A_137] : memref<512x8x128xf32, #tpu.memory_space<vmem>>, vector<512x1x128xf32>
    %get3A_139 = vector.shape_cast %get3A_138 : vector<512x1x128xf32> to vector<512x128xf32>
    %mul3A_140 = vector.broadcast %slice3A : vector<512x1xf32> to vector<512x128xf32>
    %mul3A_141 = arith.mulf %mul3A_140, %get3A_139 : vector<512x128xf32>
    %add3A_142 = arith.addf %get3A_134, %mul3A_141 : vector<512x128xf32>
    %get3A_143 = arith.constant 0 : index
    %get3A_144 = arith.constant 6 : index
    %get3A_145 = arith.constant 0 : index
    %get3A_146 = vector.load %arg3[%get3A_143, %get3A_144, %get3A_145] : memref<512x8x128xf32, #tpu.memory_space<vmem>>, vector<512x1x128xf32>
    %get3A_147 = vector.shape_cast %get3A_146 : vector<512x1x128xf32> to vector<512x128xf32>
    %mul3A_148 = vector.broadcast %slice3A_2 : vector<512x1xf32> to vector<512x128xf32>
    %mul3A_149 = arith.mulf %mul3A_148, %get3A_147 : vector<512x128xf32>
    %add3A_150 = arith.addf %add3A_142, %mul3A_149 : vector<512x128xf32>
    %swap3A_151 = arith.constant 0 : index
    %swap3A_152 = arith.constant 768 : index
    %swap3A_153 = vector.load %arg5[%swap3A_151, %swap3A_152] : memref<512x1024xf32, #tpu.memory_space<vmem>>, vector<512x128xf32>
    tpu.vector_store %arg5[%swap3A_151, %swap3A_152], %add3A_150 {strides = array<i32>} : memref<512x1024xf32, #tpu.memory_space<vmem>>, vector<512x128xf32>,
    %get3A_154 = arith.constant 0 : index
    %get3A_155 = arith.constant 896 : index
    %get3A_156 = vector.load %arg1[%get3A_154, %get3A_155] : memref<512x1024xf32, #tpu.memory_space<vmem>>, vector<512x128xf32>
    %get3A_157 = arith.constant 0 : index
    %get3A_158 = arith.constant 7 : index
    %get3A_159 = arith.constant 0 : index
    %get3A_160 = vector.load %arg2[%get3A_157, %get3A_158, %get3A_159] : memref<512x8x128xf32, #tpu.memory_space<vmem>>, vector<512x1x128xf32>
    %get3A_161 = vector.shape_cast %get3A_160 : vector<512x1x128xf32> to vector<512x128xf32>
    %mul3A_162 = vector.broadcast %slice3A : vector<512x1xf32> to vector<512x128xf32>
    %mul3A_163 = arith.mulf %mul3A_162, %get3A_161 : vector<512x128xf32>
    %add3A_164 = arith.addf %get3A_156, %mul3A_163 : vector<512x128xf32>
    %get3A_165 = arith.constant 0 : index
    %get3A_166 = arith.constant 7 : index
    %get3A_167 = arith.constant 0 : index
    %get3A_168 = vector.load %arg3[%get3A_165, %get3A_166, %get3A_167] : memref<512x8x128xf32, #tpu.memory_space<vmem>>, vector<512x1x128xf32>
    %get3A_169 = vector.shape_cast %get3A_168 : vector<512x1x128xf32> to vector<512x128xf32>
    %mul3A_170 = vector.broadcast %slice3A_2 : vector<512x1xf32> to vector<512x128xf32>
    %mul3A_171 = arith.mulf %mul3A_170, %get3A_169 : vector<512x128xf32>
    %add3A_172 = arith.addf %add3A_164, %mul3A_171 : vector<512x128xf32>
    %swap3A_173 = arith.constant 0 : index
    %swap3A_174 = arith.constant 896 : index
    %swap3A_175 = vector.load %arg5[%swap3A_173, %swap3A_174] : memref<512x1024xf32, #tpu.memory_space<vmem>>, vector<512x128xf32>
    tpu.vector_store %arg5[%swap3A_173, %swap3A_174], %add3A_172 {strides = array<i32>} : memref<512x1024xf32, #tpu.memory_space<vmem>>, vector<512x128xf32>,
    return
  }
  func.func @transform_0(%arg0: i32) -> (i32, i32) {
    %c0_i32 = arith.constant 0 : i32
    %c0_i32_0 = arith.constant 0 : i32
    return %arg0, %c0_i32 : i32, i32
  }
  func.func @transform_1(%arg0: i32) -> (i32, i32, i32) {
    %c0_i32 = arith.constant 0 : i32
    %c0_i32_0 = arith.constant 0 : i32
    %c0_i32_1 = arith.constant 0 : i32
    return %arg0, %c0_i32, %c0_i32_0 : i32, i32, i32
  }
  func.func @transform_2(%arg0: i32) -> (i32, i32, i32) {
    %c0_i32 = arith.constant 0 : i32
    %c0_i32_0 = arith.constant 0 : i32
    %c0_i32_1 = arith.constant 0 : i32
    return %arg0, %c0_i32, %c0_i32_0 : i32, i32, i32
  }
  func.func @transform_3(%arg0: i32) -> (i32, i32) {
    %c0_i32 = arith.constant 0 : i32
    %c0_i32_0 = arith.constant 0 : i32
    return %arg0, %c0_i32 : i32, i32
  }
  func.func @transform_4(%arg0: i32) -> (i32, i32) {
    %c0_i32 = arith.constant 0 : i32
    %c0_i32_0 = arith.constant 0 : i32
    return %arg0, %c0_i32 : i32, i32
  }
}

</mosaic_0001>

<sc_bundles>
// kernel: kernel.12.cloned.1.call-start
scs
__scs_entry_jumppad:
0x0: {  	(pc) =	sbr.rel $0x88, $3  }
0x1: {  	(tag) =	ssettag $0x0;
	lr =	simm.s32 $0x1  }
0x2: {  	[smem:$0x3F94] =	sst lr;
	_ =	strace $0xD0000000  }
0x3: {  	_ = 	snop  }
0x4: {  	_ = 	snop  }
0x5: {  	_ = 	snop  }
0x6: {  	_ = 	snop  }
0x7: {  	_ = 	snop  }
__scs_overlays_trampoline_lowered:
0x8: {  	[smem:$0x3FA3] =	sst s0  }
0x9: {  	[smem:$0x3FA4] =	sst s1  }
0xa: {  	[smem:$0x3FA5] =	sst s2  }
0xb: {  	[smem:$0x3FA6] =	sst s3  }
0xc: {  	[smem:$0x3FA7] =	sst s4  }
0xd: {  	[smem:$0x3FA8] =	sst s5  }
0xe: {  	[smem:$0x3FA9] =	sst s6  }
0xf: {  	[smem:$0x3FAA] =	sst s7  }
0x10: {  	[smem:$0x3FAB] =	sst s8  }
0x11: {  	[smem:$0x3FAC] =	sst s9;
	s0 =	simm.s32 @!p0 $0x0  }
0x12: {  	s1 =	sld [smem:$0x3F92];
	s0 =	simm.s32 @p0 $0x1  }
0x13: {  	[smem:$0x3FAD] =	sst s0;
	s0 =	simm.s32 @!p1 $0x0  }
0x14: {  	s2 =	sld [smem:$0x3F91];
	s0 =	simm.s32 @p1 $0x1  }
0x15: {  	[smem:$0x3FAE] =	sst s0;
	s0 =	simm.s32 @!p2 $0x0  }
0x16: {  	s3 =	sld [smem:$0x3FDB];
	s0 =	simm.s32 @p2 $0x1  }
0x17: {  	s4 =	simm.s32 $0x1BF5;
	[smem:$0x3FB0] =	sst s0  }
0x18: {  	s0 =	sld [smem:$0x3F93];
	_ =	swait.ge [sflag:s4], $0x0  }
0x19: {  	s7 =	sld [smem:$0x3F94]  }
0x1a: {  	s8 =	sadd.s32 $0xFFFFE003, lr  }
0x1b: {  	s9 =	sadd.s32 $0xFFFFFEF7, lr;
	s5 =	simm.s32 $0xFFFFFFFF;
	p2 =	slt.u32 s8, $0xFFFFF086  }
0x1c: {  	p1 =	slt.u32 s9, $0xF7A;
	s5 =	simm.s32 @!p2 $0x0  }
0x1d: {  	s5 =	simm.s32 @p1 $0x1;
	p0 =	seq.s32 s7, s2  }
0x1e: {  	s7 =	smul.u32 @!p0 $0xF7A, s2;
	p2 =	seq.s32 @!p0 s5, $0x0  }
0x1f: {  	s9 =	smul.u32 $0xF7A, s1;
	s8 =	simm.s32 @!p0 $0x1BF5;
	p2 =	por !p2, p0  }
0x20: {  	[sflag:s8] =	ssyncset.s32 @!p0 $0xFFFFF086;
	s6 =	sadd.s32 @!p0 s3, s7;
	s7 =	simm.s32 @!p0 $0x108  }
0x21: {  	s3 =	sadd.s32 s3, s9;
	s6 =	sadd.s32 @!p0 $0x88, s6;
	s7 =	simm.s32 @p2 $0x1082  }
0x22: {  	[simem:s7], [sflag:s8] =	dma.local @!p0 [hbm:s6], $0xF7A  }
0x23: {  	s9 =	sor.u32 $0xD0000000, s2;
	s6 =	simm.s32 $0x108;
	_ =	swait.ge @!p0 [sflag:s8], $0x0  }
0x24: {  	s3 =	sadd.s32 $0x88, s3;
	s6 =	simm.s32 @!p1 $0x1082;
	[sflag:s4] =	ssyncset.s32 $0xFFFFF086  }
0x25: {  	[simem:s6], [sflag:s4] =	dma.local [hbm:s3], $0xF7A  }
0x26: {  	[smem:$0x3F94] =	sst s1;
	(tag) =	ssettag s2;
	_ =	strace s9  }
0x27: {  	s1 =	sld [smem:$0x3FA4]  }
0x28: {  	s2 =	sld [smem:$0x3FA5]  }
0x29: {  	s4 =	sld [smem:$0x3FA7]  }
0x2a: {  	p0 =	seq.s32 s5, $0x0;
	s5 =	sld [smem:$0x3FA8]  }
0x2b: {  	s6 =	sld [smem:$0x3FA9]  }
0x2c: {  	s7 =	sld [smem:$0x3FAA]  }
0x2d: {  	s3 =	simm.s32 $0x108;
	s8 =	sld [smem:$0x3FAB]  }
0x2e: {  	s3 =	simm.s32 @!p0 $0x1082;
	s9 =	sld [smem:$0x3FAC]  }
0x2f: {  	lr =	sadd.s32 s0, s3;
	s0 =	sld [smem:$0x3FA3]  }
0x30: {  	s3 =	sld [smem:$0x3FA6]  }
0x31: {  	[smem:$0x3FAF] =	sst s10  }
0x32: {  	s10 =	sld [smem:$0x3FAD];
	_ =	sdelay $0x3  }
0x33: {  	p0 =	seq.s32 s10, $0x1;
	s10 =	sld [smem:$0x3FAF];
	_ =	sdelay $0x3  }
0x34: {  	[smem:$0x3FAF] =	sst s10  }
0x35: {  	s10 =	sld [smem:$0x3FAE];
	_ =	sdelay $0x3  }
0x36: {  	p1 =	seq.s32 s10, $0x1;
	s10 =	sld [smem:$0x3FAF];
	_ =	sdelay $0x3  }
0x37: {  	[smem:$0x3FAF] =	sst s10  }
0x38: {  	s10 =	sld [smem:$0x3FB0]  }
0x39: {  	_ = 	snop;
	(pc) =	sbr.ind lr, $3  }
0x3a: {  	_ = 	snop  }
0x3b: {  	_ = 	snop  }
0x3c: {  	p2 =	seq.s32 s10, $0x1;
	s10 =	sld [smem:$0x3FAF]  }
0x3d: {  	_ =	shalt  }
0x3e: {  	_ =	shalt  }
0x3f: {  	_ =	shalt  }
0x40: {  	_ =	shalt  }
0x41: {  	_ =	shalt  }
0x42: {  	_ =	shalt  }
0x43: {  	_ =	shalt  }
0x44: {  	_ =	shalt  }
0x45: {  	_ =	shalt  }
0x46: {  	_ =	shalt  }
0x47: {  	_ =	shalt  }
0x48: {  	_ =	shalt  }
0x49: {  	_ =	shalt  }
0x4a: {  	_ =	shalt  }
0x4b: {  	_ =	shalt  }
0x4c: {  	_ =	shalt  }
0x4d: {  	_ =	shalt  }
0x4e: {  	_ =	shalt  }
0x4f: {  	_ =	shalt  }
0x50: {  	_ =	shalt  }
0x51: {  	_ =	shalt  }
0x52: {  	_ =	shalt  }
0x53: {  	_ =	shalt  }
0x54: {  	_ =	shalt  }
0x55: {  	_ =	shalt  }
0x56: {  	_ =	shalt  }
0x57: {  	_ =	shalt  }
0x58: {  	_ =	shalt  }
0x59: {  	_ =	shalt  }
0x5a: {  	_ =	shalt  }
0x5b: {  	_ =	shalt  }
0x5c: {  	_ =	shalt  }
0x5d: {  	_ =	shalt  }
0x5e: {  	_ =	shalt  }
0x5f: {  	_ =	shalt  }
0x60: {  	_ =	shalt  }
0x61: {  	_ =	shalt  }
0x62: {  	_ =	shalt  }
0x63: {  	_ =	shalt  }
0x64: {  	_ =	shalt  }
0x65: {  	_ =	shalt  }
0x66: {  	_ =	shalt  }
0x67: {  	_ =	shalt  }
0x68: {  	_ =	shalt  }
0x69: {  	_ =	shalt  }
0x6a: {  	_ =	shalt  }
0x6b: {  	_ =	shalt  }
0x6c: {  	_ =	shalt  }
0x6d: {  	_ =	shalt  }
0x6e: {  	_ =	shalt  }
0x6f: {  	_ =	shalt  }
0x70: {  	_ =	shalt  }
0x71: {  	_ =	shalt  }
0x72: {  	_ =	shalt  }
0x73: {  	_ =	shalt  }
0x74: {  	_ =	shalt  }
0x75: {  	_ =	shalt  }
0x76: {  	_ =	shalt  }
0x77: {  	_ =	shalt  }
0x78: {  	_ =	shalt  }
0x79: {  	_ =	shalt  }
0x7a: {  	_ =	shalt  }
0x7b: {  	_ =	shalt  }
0x7c: {  	_ =	shalt  }
0x7d: {  	_ =	shalt  }
0x7e: {  	_ =	shalt  }
0x7f: {  	_ =	shalt  }
0x80: {  	_ =	shalt  }
0x81: {  	_ =	shalt  }
0x82: {  	_ =	shalt  }
0x83: {  	_ =	shalt  }
0x84: {  	_ =	shalt  }
0x85: {  	_ =	shalt  }
0x86: {  	_ =	shalt  }
0x87: {  	_ =	shalt  }
.Lfunc_end0:
.L_simem_size_0:
called_computation.1_lowered:
.L_overlay_start_0:
0x88: {  	s2 =	sld [smem:$0x3FD9]  }
0x89: {  	s3 =	sld [smem:$0x3FFE];
	_ =	sdelay $0x1  }
0x8a: {  	s1 =	srdreg.scid  }
0x8b: {  	s0 =	sand.u32 $0x1, s1  }
0x8c: {  	s16 =	sshll.u32 s0, $0xA;
	s2 =	sadd.s32 s3, s2  }
0x8d: {  	s2 =	sadd.s32 s2, s16  }
0x8e: {  	[smem:$0x3FBB] =	sst s2  }
0x8f: {  	_ = 	snop  }
0x90: {  	(tm) =	ssettm $0x1  }
0x91: {  	s17 =	sld [smem:$0x3FFB];
	_ =	sdelay $0x3  }
0x92: {  	_ =	strace s17  }
0x93: {  	s2 =	sld [smem:$0x3FFC];
	_ =	sdelay $0x3  }
0x94: {  	_ =	strace s2  }
0x95: {  	s2 =	sld [smem:$0x3FFD];
	_ =	sdelay $0x3  }
0x96: {  	_ =	strace s2  }
0x97: {  	_ =	strace $0x8FFFFFFF  }
0x98: {  	s18 =	sld [smem:$0x3FDB];
	_ =	sdelay $0x1  }
0x99: {  	s19 =	simm.s32 $_scs_section_size  }
0x9a: {  	s4 =	simm.s32 $_size__tile_overlayer_lowered;
	s5 =	simm.s32 $_tile_overlayer_lowered  }
0x9b: {  	s22 =	simm.s32 $0x1BFF;
	s21 =	sshll.u32 s5, $0x1;
	s2 =	sadd.s32 s19, s18  }
0x9c: {  	s6 =	simm.s32 $0x0;
	s20 =	sshll.u32 s4, $0x1;
	s4 =	sadd.s32 s21, s2  }
0x9d: {  	[timem:s6], [sflag:s22] =	dma.local [hbm:s4], s20  }
0x9e: {  	_ =	swait.ge [sflag:s22], s20  }
0x9f: {  	s3 =	ssub.s32 $0x0, s20;
	[sflag:s22] =	ssyncset.done $0x0  }
0xa0: {  	[sflag:s22] =	ssyncadd.s32 s3;
	_ =	sdelay $0x1  }
0xa1: {  	s23 =	simm.s32 $0x1B8B  }
0xa2: {  	_ =	swait.ge [sflag:s23], $0x1  }
0xa3: {  	[sflag:s23] =	ssyncset.done $0x0  }
0xa4: {  	s25 =	simm.s32 $0x1B8E;
	s24 =	sld [smem:$0x3FFE];
	[sflag:s23] =	ssyncadd.s32 $0xFFFFFFFF  }
0xa5: {  	s26 =	simm.s32 $execute0_lowered;
	[smem:$0x3FD2] =	sst s25  }
0xa6: {  	s4 =	sshll.u32 s26, $0x1;
	_ =	strace $0x80000049;
	[dreg:$0x1] =	wrdreg $0xFFFFFFFF  }
0xa7: {  	s28 =	simm.s32 $_size_execute0_lowered;
	s2 =	sadd.s32 s2, s4;
	[dreg:$0x0] =	wrdreg $0x0  }
0xa8: {  	s4 =	sshll.u32 s28, $0x1;
	[dreg:$0x2] =	wrdreg s2  }
0xa9: {  	[dreg:$0x3] =	wrdreg s4  }
0xaa: {  	[dreg:$0x4] =	wrdreg $0xC0  }
0xab: {  	_ =	task [dreg:s6], $0x5FFFF  }
0xac: {  	[dreg:$0x1] =	wrdreg $0xFFFFFFFF  }
0xad: {  	[dreg:$0x0] =	wrdreg $0x60  }
0xae: {  	[dreg:$0x2] =	wrdreg s24  }
0xaf: {  	[dreg:$0x3] =	wrdreg $0x9  }
0xb0: {  	_ =	task.clear_ibuf [dreg:s6], $0x4FFFF;
	_ =	strace $0x90000049  }
0xb1: {  	s29 =	simm.s32 $0x9;
	_ =	strace $0x8000004B  }
0xb2: {  	_ =	swait.ge [sflag:s29], $0x1  }
0xb3: {  	[sflag:s29] =	ssyncadd.s32 $0xFFFFFFFF  }
0xb4: {  	_ =	strace $0x9000004B  }
0xb5: {  	_ =	sfence  }
0xb6: {  	s30 =	sld [smem:$0x0];
	_ =	sdelay $0x2  }
0xb7: {  	s31 =	sshll.u32 s1, $0xD;
	s1 =	sshrl.u32 s1, $0x2  }
0xb8: {  	s3 =	sand.u32 $0x4000, s31;
	s1 =	sadd.s32 s1, s30  }
0xb9: {  	s0 =	sor.u32 s3, s0;
	s1 =	sshll.u32 s1, $0x11  }
0xba: {  	s0 =	sor.u32 s1, s0  }
0xbb: {  	s0 =	sadd.s32 $0x8F2B, s0  }
0xbc: {  	[sflag:s0] =	ssyncadd.remote.s32 $0x1  }
0xbd: {  	_ =	sfence.sel $0xFFFF  }
0xbe: {  	[dreg:$0x0] =	wrdreg $0xFFFFFFFF;
	(pc) =	sbr.abs _section_cstart, $3  }
0xbf: {  	[dreg:$0x1] =	wrdreg $0xFFFFFFFF  }
0xc0: {  	_ =	task.clear_ibuf [dreg:s6], $0x2FFFF;
	_ =	strace $0x9FFFFFFF  }
0xc1: {  	(tm) =	ssettm $0x7FFFFFFF  }
tec
execute0_lowered:
.L_overlay_start_1:
0x0: {  	(tag) =	ssettag $0x1  }
0x1: {  	s1 =	srdreg.scid  }
0x2: {  	s0 =	stileid.u32;
	s15 =	sand.u32 $0x1, s1  }
0x3: {  	s11 =	rddreg [dreg:$0x0];
	s3 =	sshll.u32 s0, $0x8;
	s4 =	sshll.u32 s15, $0x7  }
0x4: {  	s2 =	simm.s32 $0x0;
	s1 =	rddreg [dreg:$0x1];
	s12 =	sor.u32 s4, s3  }
0x5: {  	[smem:$0x7FF] =	sst s2;
	s13 =	sadd.s32 $0x13400, s11;
	s10 =	sshrl.u32 s12, $0x3  }
0x6: {  	_ =	strace $0x8000004A;
	s3 =	simm.s32 $0x2;
	s4 =	sadd.s32 s13, s10  }
0x7: {  	[tilespmem:s2], [sflag:$0x2] =	stream.linear.gather [hbm4b:s4+s2], $0x40, $0x38;
	[tilespmem:$0x10080] =	vst v63  }
0x8: {  	_ =	swait.ge [sflag:s3], $0x40  }
0x9: {  	s6 =	simm.s32 $0x40;
	s7 =	simm.s32 $0x80;
	[sflag:s3] =	ssyncset.done $0x0  }
0xa: {  	s8 =	simm.s32 $0x1;
	s5 =	sadd.s32 $0x5A3000, s11;
	[sflag:s3] =	ssyncadd.s32 $0xFFFFFFC0  }
0xb: {  	[tilespmem:s7], [sflag:$0x1] =	stream.indirect.gather [hbm4b:s5+s6], $0x400, s2, s6, $0xb8;
	[tilespmem:$0x10080] =	vst v63  }
0xc: {  	_ =	swait.ge [sflag:s8], $0x10000  }
0xd: {  	s14 =	sadd.s32 $0x13600, s11;
	s16 =	sshll.u32 s12, $0x7;
	[sflag:s8] =	ssyncset.done $0x0  }
0xe: {  	s9 =	sadd.s32 s14, s16;
	[sflag:s8] =	ssyncadd.s32 $0xFFFF0000  }
0xf: {  	[hbm4b:s9+s2] =	stream.linear.scatter [tilespmem:s7], [sflag:$0x2], $0x10000, $0x38;
	[tilespmem:$0x10080] =	vst v63  }
0x10: {  	_ =	swait.ge [sflag:s3], $0x10000  }
0x11: {  	s17 =	sadd.s32 $0x13200, s11;
	[sflag:s3] =	ssyncset.done $0x0  }
0x12: {  	s10 =	sadd.s32 s17, s10;
	[sflag:s3] =	ssyncadd.s32 $0xFFFF0000  }
0x13: {  	[tilespmem:s2], [sflag:$0x2] =	stream.linear.gather [hbm4b:s10+s2], $0x40, $0x38;
	[tilespmem:$0x10080] =	vst v63  }
0x14: {  	_ =	swait.ge [sflag:s3], $0x40  }
0x15: {  	[sflag:s3] =	ssyncset.done $0x0  }
0x16: {  	[sflag:s3] =	ssyncadd.s32 $0xFFFFFFC0  }
0x17: {  	[tilespmem:s7], [sflag:$0x1] =	stream.indirect.gather [hbm4b:s5+s6], $0x400, s2, s6, $0xb8;
	[tilespmem:$0x10080] =	vst v63  }
0x18: {  	_ =	swait.ge [sflag:s8], $0x10000  }
0x19: {  	s18 =	sadd.s32 $0x93600, s11;
	[sflag:s8] =	ssyncset.done $0x0  }
0x1a: {  	s11 =	sadd.s32 s18, s16;
	[sflag:s8] =	ssyncadd.s32 $0xFFFF0000  }
0x1b: {  	[hbm4b:s11+s2] =	stream.linear.scatter [tilespmem:s7], [sflag:$0x2], $0x10000, $0x38;
	[tilespmem:$0x10080] =	vst v63  }
0x1c: {  	s29 =	sor.u32 $0x40, s12;
	_ =	swait.ge [sflag:s3], $0x10000  }
0x1d: {  	s19 =	sshrl.u32 s29, $0x3;
	[sflag:s3] =	ssyncset.done $0x0  }
0x1e: {  	s12 =	sadd.s32 s13, s19;
	[sflag:s3] =	ssyncadd.s32 $0xFFFF0000  }
0x1f: {  	[tilespmem:s2], [sflag:$0x2] =	stream.linear.gather [hbm4b:s12+s2], $0x40, $0x38;
	[tilespmem:$0x10080] =	vst v63  }
0x20: {  	_ =	swait.ge [sflag:s3], $0x40  }
0x21: {  	[sflag:s3] =	ssyncset.done $0x0  }
0x22: {  	[sflag:s3] =	ssyncadd.s32 $0xFFFFFFC0  }
0x23: {  	[tilespmem:s7], [sflag:$0x1] =	stream.indirect.gather [hbm4b:s5+s6], $0x400, s2, s6, $0xb8;
	[tilespmem:$0x10080] =	vst v63  }
0x24: {  	_ =	swait.ge [sflag:s8], $0x10000  }
0x25: {  	s16 =	sshll.u32 s29, $0x7;
	[sflag:s8] =	ssyncset.done $0x0  }
0x26: {  	s13 =	sadd.s32 s14, s16;
	[sflag:s8] =	ssyncadd.s32 $0xFFFF0000  }
0x27: {  	[hbm4b:s13+s2] =	stream.linear.scatter [tilespmem:s7], [sflag:$0x2], $0x10000, $0x38;
	[tilespmem:$0x10080] =	vst v63  }
0x28: {  	_ =	swait.ge [sflag:s3], $0x10000  }
0x29: {  	[sflag:s3] =	ssyncset.done $0x0  }
0x2a: {  	s15 =	ssub.s32 $0x2, s15;
	s14 =	sadd.s32 s17, s19;
	[sflag:s3] =	ssyncadd.s32 $0xFFFF0000  }
0x2b: {  	[tilespmem:s2], [sflag:$0x2] =	stream.linear.gather [hbm4b:s14+s2], $0x40, $0x38;
	[tilespmem:$0x10080] =	vst v63  }
0x2c: {  	s30 =	sshrl.u32 s15, $0x1;
	_ =	swait.ge [sflag:s3], $0x40  }
0x2d: {  	s17 =	ssub.s32 s15, s30;
	[sflag:s3] =	ssyncset.done $0x0  }
0x2e: {  	s31 =	smax.u32 s17, $0x1;
	[sflag:s3] =	ssyncadd.s32 $0xFFFFFFC0  }
0x2f: {  	[tilespmem:s7], [sflag:$0x1] =	stream.indirect.gather [hbm4b:s5+s6], $0x400, s2, s6, $0xb8;
	[tilespmem:$0x10080] =	vst v63  }
0x30: {  	p0 =	sne.s32 s31, $0x1;
	_ =	swait.ge [sflag:s8], $0x10000  }
.Ltmp0:
0x31: {  	[sflag:s8] =	ssyncset.done $0x0;
	(pc) =	sbr.rel @!p0 .LBB2_2-.Ltmp0, $4  }
0x32: {  	s15 =	sadd.s32 s18, s16;
	[sflag:s8] =	ssyncadd.s32 $0xFFFF0000  }
0x33: {  	[hbm4b:s15+s2] =	stream.linear.scatter [tilespmem:s7], [sflag:$0x2], $0x10000, $0x38;
	[tilespmem:$0x10080] =	vst v63  }
0x34: {  	_ =	swait.ge [sflag:s3], $0x10000  }
0x35: {  	s16 =	sadd.s32 $0xFFFFFFFF, s31;
	[sflag:s3] =	ssyncset.done $0x0  }
.LBB2_1:
0x36: {  	p0 =	sne.s32 s16, $0x1;
	s16 =	sadd.s32 $0xFFFFFFFF, s16;
	[sflag:s3] =	ssyncadd.s32 $0xFFFF0000  }
0x37: {  	[tilespmem:s2], [sflag:$0x2] =	stream.linear.gather [hbm4b:s4+s2], $0x40, $0x38;
	[tilespmem:$0x10080] =	vst v63  }
0x38: {  	_ =	swait.ge [sflag:s3], $0x40  }
0x39: {  	[sflag:s3] =	ssyncset.done $0x0  }
0x3a: {  	[sflag:s3] =	ssyncadd.s32 $0xFFFFFFC0  }
0x3b: {  	[tilespmem:s7], [sflag:$0x1] =	stream.indirect.gather [hbm4b:s5+s6], $0x400, s2, s6, $0xb8;
	[tilespmem:$0x10080] =	vst v63  }
0x3c: {  	_ =	swait.ge [sflag:s8], $0x10000  }
0x3d: {  	[sflag:s8] =	ssyncset.done $0x0  }
0x3e: {  	[sflag:s8] =	ssyncadd.s32 $0xFFFF0000  }
0x3f: {  	[hbm4b:s9+s2] =	stream.linear.scatter [tilespmem:s7], [sflag:$0x2], $0x10000, $0x38;
	[tilespmem:$0x10080] =	vst v63  }
0x40: {  	_ =	swait.ge [sflag:s3], $0x10000  }
0x41: {  	[sflag:s3] =	ssyncset.done $0x0  }
0x42: {  	[sflag:s3] =	ssyncadd.s32 $0xFFFF0000  }
0x43: {  	[tilespmem:s2], [sflag:$0x2] =	stream.linear.gather [hbm4b:s10+s2], $0x40, $0x38;
	[tilespmem:$0x10080] =	vst v63  }
0x44: {  	_ =	swait.ge [sflag:s3], $0x40  }
0x45: {  	[sflag:s3] =	ssyncset.done $0x0  }
0x46: {  	[sflag:s3] =	ssyncadd.s32 $0xFFFFFFC0  }
0x47: {  	[tilespmem:s7], [sflag:$0x1] =	stream.indirect.gather [hbm4b:s5+s6], $0x400, s2, s6, $0xb8;
	[tilespmem:$0x10080] =	vst v63  }
0x48: {  	_ =	swait.ge [sflag:s8], $0x10000  }
0x49: {  	[sflag:s8] =	ssyncset.done $0x0  }
0x4a: {  	[sflag:s8] =	ssyncadd.s32 $0xFFFF0000  }
0x4b: {  	[hbm4b:s11+s2] =	stream.linear.scatter [tilespmem:s7], [sflag:$0x2], $0x10000, $0x38;
	[tilespmem:$0x10080] =	vst v63  }
0x4c: {  	_ =	swait.ge [sflag:s3], $0x10000  }
0x4d: {  	[sflag:s3] =	ssyncset.done $0x0  }
0x4e: {  	[sflag:s3] =	ssyncadd.s32 $0xFFFF0000  }
0x4f: {  	[tilespmem:s2], [sflag:$0x2] =	stream.linear.gather [hbm4b:s12+s2], $0x40, $0x38;
	[tilespmem:$0x10080] =	vst v63  }
0x50: {  	_ =	swait.ge [sflag:s3], $0x40  }
0x51: {  	[sflag:s3] =	ssyncset.done $0x0  }
0x52: {  	[sflag:s3] =	ssyncadd.s32 $0xFFFFFFC0  }
0x53: {  	[tilespmem:s7], [sflag:$0x1] =	stream.indirect.gather [hbm4b:s5+s6], $0x400, s2, s6, $0xb8;
	[tilespmem:$0x10080] =	vst v63  }
0x54: {  	_ =	swait.ge [sflag:s8], $0x10000  }
0x55: {  	[sflag:s8] =	ssyncset.done $0x0  }
0x56: {  	[sflag:s8] =	ssyncadd.s32 $0xFFFF0000  }
0x57: {  	[hbm4b:s13+s2] =	stream.linear.scatter [tilespmem:s7], [sflag:$0x2], $0x10000, $0x38;
	[tilespmem:$0x10080] =	vst v63  }
0x58: {  	_ =	swait.ge [sflag:s3], $0x10000  }
0x59: {  	[sflag:s3] =	ssyncset.done $0x0  }
0x5a: {  	[sflag:s3] =	ssyncadd.s32 $0xFFFF0000  }
0x5b: {  	[tilespmem:s2], [sflag:$0x2] =	stream.linear.gather [hbm4b:s14+s2], $0x40, $0x38;
	[tilespmem:$0x10080] =	vst v63  }
0x5c: {  	_ =	swait.ge [sflag:s3], $0x40  }
0x5d: {  	[sflag:s3] =	ssyncset.done $0x0  }
0x5e: {  	[sflag:s3] =	ssyncadd.s32 $0xFFFFFFC0  }
0x5f: {  	[tilespmem:s7], [sflag:$0x1] =	stream.indirect.gather [hbm4b:s5+s6], $0x400, s2, s6, $0xb8;
	[tilespmem:$0x10080] =	vst v63  }
0x60: {  	_ =	swait.ge [sflag:s8], $0x10000  }
.Ltmp1:
0x61: {  	[sflag:s8] =	ssyncset.done $0x0;
	(pc) =	sbr.rel @p0 .LBB2_1-.Ltmp1, $4  }
0x62: {  	[sflag:s8] =	ssyncadd.s32 $0xFFFF0000  }
0x63: {  	[hbm4b:s15+s2] =	stream.linear.scatter [tilespmem:s7], [sflag:$0x2], $0x10000, $0x38;
	[tilespmem:$0x10080] =	vst v63  }
0x64: {  	_ =	swait.ge [sflag:s3], $0x10000  }
0x65: {  	[sflag:s3] =	ssyncset.done $0x0  }
.LBB2_2:
0x66: {  	[sflag:s3] =	ssyncadd.s32 $0xFFFF0000  }
0x67: {  	_ =	sfence.sel $0x180000  }
0x68: {  	[bflag:$0x0] =	sbarrier.arrive $0xFFFF  }
0x69: {  	p0 =	sne.s32 s0, $0x0;
	_ =	strace $0x9000004A  }
0x6a: {  	s0 =	sadd.s32 @!p0 $0x100000, s1;
	[bflag:$0x2] =	sbarrier.arrive $0xFFFF  }
0x6b: {  	[sflag:s0] =	ssyncadd.tile.s32 @!p0 $0x1;
	_ =	shalt  }
.Lfunc_end2:
_tile_overlayer_lowered:
.L_overlay_start_2:
0x6c: {  	(tag) =	ssettag $0x2  }
0x6d: {  	s0 =	rddreg [dreg:$0x0];
	s2 =	stileid.u32  }
0x6e: {  	s1 =	rddreg [dreg:$0x1];
	p0 =	sne.s32 s2, $0x0  }
0x6f: {  	s3 =	rddreg [dreg:$0x2];
	[bflag:$0x3] =	sbarrier.arrive $0xFFFF;
	s2 =	simm.s32 @!p0 $0x1C02  }
0x70: {  	[timem:s3], [sflag:s2] =	dma.local @!p0 [hbm:s0], s1  }
0x71: {  	s0 =	simm.s32 @!p0 $0x2  }
0x72: {  	_ =	swait.ge @!p0 [sflag:s0], s1  }
0x73: {  	s1 =	ssub.s32 @!p0 $0x0, s1;
	[sflag:s0] =	ssyncset.done @!p0 $0x0  }
0x74: {  	[sflag:s0] =	ssyncadd.s32 @!p0 s1  }
0x75: {  	[bflag:$0x3] =	sbarrier.arrive $0xFFFF  }
0x76: {  	_ =	shalt  }

// kernel: kernel.9.cloned.1.call-start
scs
__scs_entry_jumppad:
0x0: {  	(pc) =	sbr.rel $0x88, $3  }
0x1: {  	(tag) =	ssettag $0x0;
	lr =	simm.s32 $0x1  }
0x2: {  	[smem:$0x3F94] =	sst lr;
	_ =	strace $0xD0000000  }
0x3: {  	_ = 	snop  }
0x4: {  	_ = 	snop  }
0x5: {  	_ = 	snop  }
0x6: {  	_ = 	snop  }
0x7: {  	_ = 	snop  }
__scs_overlays_trampoline_lowered:
0x8: {  	[smem:$0x3FA3] =	sst s0  }
0x9: {  	[smem:$0x3FA4] =	sst s1  }
0xa: {  	[smem:$0x3FA5] =	sst s2  }
0xb: {  	[smem:$0x3FA6] =	sst s3  }
0xc: {  	[smem:$0x3FA7] =	sst s4  }
0xd: {  	[smem:$0x3FA8] =	sst s5  }
0xe: {  	[smem:$0x3FA9] =	sst s6  }
0xf: {  	[smem:$0x3FAA] =	sst s7  }
0x10: {  	[smem:$0x3FAB] =	sst s8  }
0x11: {  	[smem:$0x3FAC] =	sst s9;
	s0 =	simm.s32 @!p0 $0x0  }
0x12: {  	s1 =	sld [smem:$0x3F92];
	s0 =	simm.s32 @p0 $0x1  }
0x13: {  	[smem:$0x3FAD] =	sst s0;
	s0 =	simm.s32 @!p1 $0x0  }
0x14: {  	s2 =	sld [smem:$0x3F91];
	s0 =	simm.s32 @p1 $0x1  }
0x15: {  	[smem:$0x3FAE] =	sst s0;
	s0 =	simm.s32 @!p2 $0x0  }
0x16: {  	s3 =	sld [smem:$0x3FDB];
	s0 =	simm.s32 @p2 $0x1  }
0x17: {  	s4 =	simm.s32 $0x1BF5;
	[smem:$0x3FB0] =	sst s0  }
0x18: {  	s0 =	sld [smem:$0x3F93];
	_ =	swait.ge [sflag:s4], $0x0  }
0x19: {  	s7 =	sld [smem:$0x3F94]  }
0x1a: {  	s8 =	sadd.s32 $0xFFFFE003, lr  }
0x1b: {  	s9 =	sadd.s32 $0xFFFFFEF7, lr;
	s5 =	simm.s32 $0xFFFFFFFF;
	p2 =	slt.u32 s8, $0xFFFFF086  }
0x1c: {  	p1 =	slt.u32 s9, $0xF7A;
	s5 =	simm.s32 @!p2 $0x0  }
0x1d: {  	s5 =	simm.s32 @p1 $0x1;
	p0 =	seq.s32 s7, s2  }
0x1e: {  	s7 =	smul.u32 @!p0 $0xF7A, s2;
	p2 =	seq.s32 @!p0 s5, $0x0  }
0x1f: {  	s9 =	smul.u32 $0xF7A, s1;
	s8 =	simm.s32 @!p0 $0x1BF5;
	p2 =	por !p2, p0  }
0x20: {  	[sflag:s8] =	ssyncset.s32 @!p0 $0xFFFFF086;
	s6 =	sadd.s32 @!p0 s3, s7;
	s7 =	simm.s32 @!p0 $0x108  }
0x21: {  	s3 =	sadd.s32 s3, s9;
	s6 =	sadd.s32 @!p0 $0x88, s6;
	s7 =	simm.s32 @p2 $0x1082  }
0x22: {  	[simem:s7], [sflag:s8] =	dma.local @!p0 [hbm:s6], $0xF7A  }
0x23: {  	s9 =	sor.u32 $0xD0000000, s2;
	s6 =	simm.s32 $0x108;
	_ =	swait.ge @!p0 [sflag:s8], $0x0  }
0x24: {  	s3 =	sadd.s32 $0x88, s3;
	s6 =	simm.s32 @!p1 $0x1082;
	[sflag:s4] =	ssyncset.s32 $0xFFFFF086  }
0x25: {  	[simem:s6], [sflag:s4] =	dma.local [hbm:s3], $0xF7A  }
0x26: {  	[smem:$0x3F94] =	sst s1;
	(tag) =	ssettag s2;
	_ =	strace s9  }
0x27: {  	s1 =	sld [smem:$0x3FA4]  }
0x28: {  	s2 =	sld [smem:$0x3FA5]  }
0x29: {  	s4 =	sld [smem:$0x3FA7]  }
0x2a: {  	p0 =	seq.s32 s5, $0x0;
	s5 =	sld [smem:$0x3FA8]  }
0x2b: {  	s6 =	sld [smem:$0x3FA9]  }
0x2c: {  	s7 =	sld [smem:$0x3FAA]  }
0x2d: {  	s3 =	simm.s32 $0x108;
	s8 =	sld [smem:$0x3FAB]  }
0x2e: {  	s3 =	simm.s32 @!p0 $0x1082;
	s9 =	sld [smem:$0x3FAC]  }
0x2f: {  	lr =	sadd.s32 s0, s3;
	s0 =	sld [smem:$0x3FA3]  }
0x30: {  	s3 =	sld [smem:$0x3FA6]  }
0x31: {  	[smem:$0x3FAF] =	sst s10  }
0x32: {  	s10 =	sld [smem:$0x3FAD];
	_ =	sdelay $0x3  }
0x33: {  	p0 =	seq.s32 s10, $0x1;
	s10 =	sld [smem:$0x3FAF];
	_ =	sdelay $0x3  }
0x34: {  	[smem:$0x3FAF] =	sst s10  }
0x35: {  	s10 =	sld [smem:$0x3FAE];
	_ =	sdelay $0x3  }
0x36: {  	p1 =	seq.s32 s10, $0x1;
	s10 =	sld [smem:$0x3FAF];
	_ =	sdelay $0x3  }
0x37: {  	[smem:$0x3FAF] =	sst s10  }
0x38: {  	s10 =	sld [smem:$0x3FB0]  }
0x39: {  	_ = 	snop;
	(pc) =	sbr.ind lr, $3  }
0x3a: {  	_ = 	snop  }
0x3b: {  	_ = 	snop  }
0x3c: {  	p2 =	seq.s32 s10, $0x1;
	s10 =	sld [smem:$0x3FAF]  }
0x3d: {  	_ =	shalt  }
0x3e: {  	_ =	shalt  }
0x3f: {  	_ =	shalt  }
0x40: {  	_ =	shalt  }
0x41: {  	_ =	shalt  }
0x42: {  	_ =	shalt  }
0x43: {  	_ =	shalt  }
0x44: {  	_ =	shalt  }
0x45: {  	_ =	shalt  }
0x46: {  	_ =	shalt  }
0x47: {  	_ =	shalt  }
0x48: {  	_ =	shalt  }
0x49: {  	_ =	shalt  }
0x4a: {  	_ =	shalt  }
0x4b: {  	_ =	shalt  }
0x4c: {  	_ =	shalt  }
0x4d: {  	_ =	shalt  }
0x4e: {  	_ =	shalt  }
0x4f: {  	_ =	shalt  }
0x50: {  	_ =	shalt  }
0x51: {  	_ =	shalt  }
0x52: {  	_ =	shalt  }
0x53: {  	_ =	shalt  }
0x54: {  	_ =	shalt  }
0x55: {  	_ =	shalt  }
0x56: {  	_ =	shalt  }
0x57: {  	_ =	shalt  }
0x58: {  	_ =	shalt  }
0x59: {  	_ =	shalt  }
0x5a: {  	_ =	shalt  }
0x5b: {  	_ =	shalt  }
0x5c: {  	_ =	shalt  }
0x5d: {  	_ =	shalt  }
0x5e: {  	_ =	shalt  }
0x5f: {  	_ =	shalt  }
0x60: {  	_ =	shalt  }
0x61: {  	_ =	shalt  }
0x62: {  	_ =	shalt  }
0x63: {  	_ =	shalt  }
0x64: {  	_ =	shalt  }
0x65: {  	_ =	shalt  }
0x66: {  	_ =	shalt  }
0x67: {  	_ =	shalt  }
0x68: {  	_ =	shalt  }
0x69: {  	_ =	shalt  }
0x6a: {  	_ =	shalt  }
0x6b: {  	_ =	shalt  }
0x6c: {  	_ =	shalt  }
0x6d: {  	_ =	shalt  }
0x6e: {  	_ =	shalt  }
0x6f: {  	_ =	shalt  }
0x70: {  	_ =	shalt  }
0x71: {  	_ =	shalt  }
0x72: {  	_ =	shalt  }
0x73: {  	_ =	shalt  }
0x74: {  	_ =	shalt  }
0x75: {  	_ =	shalt  }
0x76: {  	_ =	shalt  }
0x77: {  	_ =	shalt  }
0x78: {  	_ =	shalt  }
0x79: {  	_ =	shalt  }
0x7a: {  	_ =	shalt  }
0x7b: {  	_ =	shalt  }
0x7c: {  	_ =	shalt  }
0x7d: {  	_ =	shalt  }
0x7e: {  	_ =	shalt  }
0x7f: {  	_ =	shalt  }
0x80: {  	_ =	shalt  }
0x81: {  	_ =	shalt  }
0x82: {  	_ =	shalt  }
0x83: {  	_ =	shalt  }
0x84: {  	_ =	shalt  }
0x85: {  	_ =	shalt  }
0x86: {  	_ =	shalt  }
0x87: {  	_ =	shalt  }
.Lfunc_end0:
.L_simem_size_0:
called_computation_lowered:
.L_overlay_start_0:
0x88: {  	s2 =	sld [smem:$0x3FD9]  }
0x89: {  	s3 =	sld [smem:$0x3FFE];
	_ =	sdelay $0x1  }
0x8a: {  	s1 =	srdreg.scid  }
0x8b: {  	s0 =	sand.u32 $0x1, s1  }
0x8c: {  	s16 =	sshll.u32 s0, $0xA;
	s2 =	sadd.s32 s3, s2  }
0x8d: {  	s2 =	sadd.s32 s2, s16  }
0x8e: {  	[smem:$0x3FBB] =	sst s2  }
0x8f: {  	_ = 	snop  }
0x90: {  	(tm) =	ssettm $0x1  }
0x91: {  	s17 =	sld [smem:$0x3FFB];
	_ =	sdelay $0x3  }
0x92: {  	_ =	strace s17  }
0x93: {  	s2 =	sld [smem:$0x3FFC];
	_ =	sdelay $0x3  }
0x94: {  	_ =	strace s2  }
0x95: {  	s2 =	sld [smem:$0x3FFD];
	_ =	sdelay $0x3  }
0x96: {  	_ =	strace s2  }
0x97: {  	_ =	strace $0x8FFFFFFF  }
0x98: {  	s18 =	sld [smem:$0x3FDB];
	_ =	sdelay $0x1  }
0x99: {  	s19 =	simm.s32 $_scs_section_size  }
0x9a: {  	s4 =	simm.s32 $_size__tile_overlayer_lowered;
	s5 =	simm.s32 $_tile_overlayer_lowered  }
0x9b: {  	s22 =	simm.s32 $0x1BFF;
	s21 =	sshll.u32 s5, $0x1;
	s2 =	sadd.s32 s19, s18  }
0x9c: {  	s6 =	simm.s32 $0x0;
	s20 =	sshll.u32 s4, $0x1;
	s4 =	sadd.s32 s21, s2  }
0x9d: {  	[timem:s6], [sflag:s22] =	dma.local [hbm:s4], s20  }
0x9e: {  	_ =	swait.ge [sflag:s22], s20  }
0x9f: {  	s3 =	ssub.s32 $0x0, s20;
	[sflag:s22] =	ssyncset.done $0x0  }
0xa0: {  	[sflag:s22] =	ssyncadd.s32 s3;
	_ =	sdelay $0x1  }
0xa1: {  	s23 =	simm.s32 $0x1B8B  }
0xa2: {  	_ =	swait.ge [sflag:s23], $0x1  }
0xa3: {  	[sflag:s23] =	ssyncset.done $0x0  }
0xa4: {  	s25 =	simm.s32 $0x1B8E;
	s24 =	sld [smem:$0x3FFE];
	[sflag:s23] =	ssyncadd.s32 $0xFFFFFFFF  }
0xa5: {  	s26 =	simm.s32 $execute0_lowered;
	[smem:$0x3FD2] =	sst s25  }
0xa6: {  	s4 =	sshll.u32 s26, $0x1;
	_ =	strace $0x80000046;
	[dreg:$0x1] =	wrdreg $0xFFFFFFFF  }
0xa7: {  	s28 =	simm.s32 $_size_execute0_lowered;
	s2 =	sadd.s32 s2, s4;
	[dreg:$0x0] =	wrdreg $0x0  }
0xa8: {  	s4 =	sshll.u32 s28, $0x1;
	[dreg:$0x2] =	wrdreg s2  }
0xa9: {  	[dreg:$0x3] =	wrdreg s4  }
0xaa: {  	[dreg:$0x4] =	wrdreg $0xC0  }
0xab: {  	_ =	task [dreg:s6], $0x5FFFF  }
0xac: {  	[dreg:$0x1] =	wrdreg $0xFFFFFFFF  }
0xad: {  	[dreg:$0x0] =	wrdreg $0x60  }
0xae: {  	[dreg:$0x2] =	wrdreg s24  }
0xaf: {  	[dreg:$0x3] =	wrdreg $0x9  }
0xb0: {  	_ =	task.clear_ibuf [dreg:s6], $0x4FFFF;
	_ =	strace $0x90000046  }
0xb1: {  	s29 =	simm.s32 $0x9;
	_ =	strace $0x80000048  }
0xb2: {  	_ =	swait.ge [sflag:s29], $0x1  }
0xb3: {  	[sflag:s29] =	ssyncadd.s32 $0xFFFFFFFF  }
0xb4: {  	_ =	strace $0x90000048  }
0xb5: {  	_ =	sfence  }
0xb6: {  	s30 =	sld [smem:$0x0];
	_ =	sdelay $0x2  }
0xb7: {  	s31 =	sshll.u32 s1, $0xD;
	s1 =	sshrl.u32 s1, $0x2  }
0xb8: {  	s3 =	sand.u32 $0x4000, s31;
	s1 =	sadd.s32 s1, s30  }
0xb9: {  	s0 =	sor.u32 s3, s0;
	s1 =	sshll.u32 s1, $0x11  }
0xba: {  	s0 =	sor.u32 s1, s0  }
0xbb: {  	s0 =	sadd.s32 $0x8F2B, s0  }
0xbc: {  	[sflag:s0] =	ssyncadd.remote.s32 $0x1  }
0xbd: {  	_ =	sfence.sel $0xFFFF  }
0xbe: {  	[dreg:$0x0] =	wrdreg $0xFFFFFFFF;
	(pc) =	sbr.abs _section_cstart, $3  }
0xbf: {  	[dreg:$0x1] =	wrdreg $0xFFFFFFFF  }
0xc0: {  	_ =	task.clear_ibuf [dreg:s6], $0x2FFFF;
	_ =	strace $0x9FFFFFFF  }
0xc1: {  	(tm) =	ssettm $0x7FFFFFFF  }
tec
execute0_lowered:
.L_overlay_start_1:
0x0: {  	(tag) =	ssettag $0x1  }
0x1: {  	s1 =	srdreg.scid  }
0x2: {  	s0 =	stileid.u32;
	s16 =	sand.u32 $0x1, s1  }
0x3: {  	s9 =	rddreg [dreg:$0x0];
	s3 =	sshll.u32 s0, $0x8;
	s4 =	sshll.u32 s16, $0x7  }
0x4: {  	s2 =	simm.s32 $0x0;
	s1 =	rddreg [dreg:$0x1];
	s13 =	sor.u32 s4, s3  }
0x5: {  	[smem:$0x7FF] =	sst s2;
	s14 =	sadd.s32 $0x13400, s9;
	s5 =	sshrl.u32 s13, $0x3  }
0x6: {  	_ =	strace $0x80000047;
	s4 =	simm.s32 $0x3;
	s3 =	sadd.s32 s14, s5  }
0x7: {  	[tilespmem:s2], [sflag:$0x3] =	stream.linear.gather [hbm4b:s3+s2], $0x40, $0x38;
	[tilespmem:$0x10100] =	vst v63  }
0x8: {  	_ =	swait.ge [sflag:s4], $0x40  }
0x9: {  	s15 =	sadd.s32 $0x13200, s9;
	[sflag:s4] =	ssyncset.done $0x0  }
0xa: {  	s6 =	simm.s32 $0x80;
	s5 =	sadd.s32 s15, s5;
	[sflag:s4] =	ssyncadd.s32 $0xFFFFFFC0  }
0xb: {  	[tilespmem:s6], [sflag:$0x3] =	stream.linear.gather [hbm4b:s5+s2], $0x40, $0x38;
	[tilespmem:$0x10100] =	vst v63  }
0xc: {  	_ =	swait.ge [sflag:s4], $0x40  }
0xd: {  	s17 =	sadd.s32 $0x123000, s9;
	s7 =	sshll.u32 s13, $0x7;
	[sflag:s4] =	ssyncset.done $0x0  }
0xe: {  	s8 =	simm.s32 $0x100;
	s7 =	sadd.s32 s17, s7;
	[sflag:s4] =	ssyncadd.s32 $0xFFFFFFC0  }
0xf: {  	[tilespmem:s8], [sflag:$0x3] =	stream.linear.gather [hbm4b:s7+s2], $0x10000, $0x38;
	[tilespmem:$0x10100] =	vst v63  }
0x10: {  	_ =	swait.ge [sflag:s4], $0x10000  }
0x11: {  	[sflag:s4] =	ssyncset.done $0x0  }
0x12: {  	s10 =	simm.s32 $0x40;
	s9 =	sadd.s32 $0x1A3000, s9;
	[sflag:s4] =	ssyncadd.s32 $0xFFFF0000  }
0x13: {  	[hbm4b:s9+s10] =	stream.indirect.scatter [tilespmem:s8], [sflag:$0x1], $0x400, s2, s10, $0xb8;
	[tilespmem:$0x10100] =	vst v63  }
0x14: {  	s11 =	simm.s32 $0x1  }
0x15: {  	[hbm4b:s9+s10] =	stream.indirect.scatter [tilespmem:s8], [sflag:$0x2], $0x400, s6, s10, $0xb8;
	[tilespmem:$0x10100] =	vst v63  }
0x16: {  	_ =	swait.ge [sflag:s11], $0x10000  }
0x17: {  	[sflag:s11] =	ssyncset.done $0x0  }
0x18: {  	s12 =	simm.s32 $0x2;
	[sflag:s11] =	ssyncadd.s32 $0xFFFF0000  }
0x19: {  	s18 =	sor.u32 $0x40, s13;
	_ =	swait.ge [sflag:s12], $0x10000  }
0x1a: {  	s19 =	sshrl.u32 s18, $0x3;
	[sflag:s12] =	ssyncset.done $0x0  }
0x1b: {  	s13 =	sadd.s32 s14, s19;
	[sflag:s12] =	ssyncadd.s32 $0xFFFF0000  }
0x1c: {  	[tilespmem:s2], [sflag:$0x3] =	stream.linear.gather [hbm4b:s13+s2], $0x40, $0x38;
	[tilespmem:$0x10100] =	vst v63  }
0x1d: {  	_ =	swait.ge [sflag:s4], $0x40  }
0x1e: {  	[sflag:s4] =	ssyncset.done $0x0  }
0x1f: {  	s14 =	sadd.s32 s15, s19;
	[sflag:s4] =	ssyncadd.s32 $0xFFFFFFC0  }
0x20: {  	[tilespmem:s6], [sflag:$0x3] =	stream.linear.gather [hbm4b:s14+s2], $0x40, $0x38;
	[tilespmem:$0x10100] =	vst v63  }
0x21: {  	_ =	swait.ge [sflag:s4], $0x40  }
0x22: {  	s30 =	sshll.u32 s18, $0x7;
	[sflag:s4] =	ssyncset.done $0x0  }
0x23: {  	s16 =	ssub.s32 $0x2, s16;
	s15 =	sadd.s32 s17, s30;
	[sflag:s4] =	ssyncadd.s32 $0xFFFFFFC0  }
0x24: {  	[tilespmem:s8], [sflag:$0x3] =	stream.linear.gather [hbm4b:s15+s2], $0x10000, $0x38;
	[tilespmem:$0x10100] =	vst v63  }
0x25: {  	s31 =	sshrl.u32 s16, $0x1;
	_ =	swait.ge [sflag:s4], $0x10000  }
0x26: {  	s16 =	ssub.s32 s16, s31;
	[sflag:s4] =	ssyncset.done $0x0  }
0x27: {  	s16 =	smax.u32 s16, $0x1;
	[sflag:s4] =	ssyncadd.s32 $0xFFFF0000  }
0x28: {  	[hbm4b:s9+s10] =	stream.indirect.scatter [tilespmem:s8], [sflag:$0x1], $0x400, s2, s10, $0xb8;
	[tilespmem:$0x10100] =	vst v63  }
0x29: {  	p0 =	sne.s32 s16, $0x1  }
0x2a: {  	[hbm4b:s9+s10] =	stream.indirect.scatter [tilespmem:s8], [sflag:$0x2], $0x400, s6, s10, $0xb8;
	[tilespmem:$0x10100] =	vst v63  }
.Ltmp0:
0x2b: {  	_ =	swait.ge [sflag:s11], $0x10000;
	(pc) =	sbr.rel @!p0 .LBB2_2-.Ltmp0, $4  }
0x2c: {  	[sflag:s11] =	ssyncset.done $0x0  }
0x2d: {  	[sflag:s11] =	ssyncadd.s32 $0xFFFF0000  }
0x2e: {  	_ =	swait.ge [sflag:s12], $0x10000  }
0x2f: {  	s16 =	sadd.s32 $0xFFFFFFFF, s16;
	[sflag:s12] =	ssyncset.done $0x0  }
.LBB2_1:
0x30: {  	p0 =	sne.s32 s16, $0x1;
	s16 =	sadd.s32 $0xFFFFFFFF, s16;
	[sflag:s12] =	ssyncadd.s32 $0xFFFF0000  }
0x31: {  	[tilespmem:s2], [sflag:$0x3] =	stream.linear.gather [hbm4b:s3+s2], $0x40, $0x38;
	[tilespmem:$0x10100] =	vst v63  }
0x32: {  	_ =	swait.ge [sflag:s4], $0x40  }
0x33: {  	[sflag:s4] =	ssyncset.done $0x0  }
0x34: {  	[sflag:s4] =	ssyncadd.s32 $0xFFFFFFC0  }
0x35: {  	[tilespmem:s6], [sflag:$0x3] =	stream.linear.gather [hbm4b:s5+s2], $0x40, $0x38;
	[tilespmem:$0x10100] =	vst v63  }
0x36: {  	_ =	swait.ge [sflag:s4], $0x40  }
0x37: {  	[sflag:s4] =	ssyncset.done $0x0  }
0x38: {  	[sflag:s4] =	ssyncadd.s32 $0xFFFFFFC0  }
0x39: {  	[tilespmem:s8], [sflag:$0x3] =	stream.linear.gather [hbm4b:s7+s2], $0x10000, $0x38;
	[tilespmem:$0x10100] =	vst v63  }
0x3a: {  	_ =	swait.ge [sflag:s4], $0x10000  }
0x3b: {  	[sflag:s4] =	ssyncset.done $0x0  }
0x3c: {  	[sflag:s4] =	ssyncadd.s32 $0xFFFF0000  }
0x3d: {  	[hbm4b:s9+s10] =	stream.indirect.scatter [tilespmem:s8], [sflag:$0x1], $0x400, s2, s10, $0xb8;
	[tilespmem:$0x10100] =	vst v63  }
0x3e: {  	_ = 	snop  }
0x3f: {  	[hbm4b:s9+s10] =	stream.indirect.scatter [tilespmem:s8], [sflag:$0x2], $0x400, s6, s10, $0xb8;
	[tilespmem:$0x10100] =	vst v63  }
0x40: {  	_ =	swait.ge [sflag:s11], $0x10000  }
0x41: {  	[sflag:s11] =	ssyncset.done $0x0  }
0x42: {  	[sflag:s11] =	ssyncadd.s32 $0xFFFF0000  }
0x43: {  	_ =	swait.ge [sflag:s12], $0x10000  }
0x44: {  	[sflag:s12] =	ssyncset.done $0x0  }
0x45: {  	[sflag:s12] =	ssyncadd.s32 $0xFFFF0000  }
0x46: {  	[tilespmem:s2], [sflag:$0x3] =	stream.linear.gather [hbm4b:s13+s2], $0x40, $0x38;
	[tilespmem:$0x10100] =	vst v63  }
0x47: {  	_ =	swait.ge [sflag:s4], $0x40  }
0x48: {  	[sflag:s4] =	ssyncset.done $0x0  }
0x49: {  	[sflag:s4] =	ssyncadd.s32 $0xFFFFFFC0  }
0x4a: {  	[tilespmem:s6], [sflag:$0x3] =	stream.linear.gather [hbm4b:s14+s2], $0x40, $0x38;
	[tilespmem:$0x10100] =	vst v63  }
0x4b: {  	_ =	swait.ge [sflag:s4], $0x40  }
0x4c: {  	[sflag:s4] =	ssyncset.done $0x0  }
0x4d: {  	[sflag:s4] =	ssyncadd.s32 $0xFFFFFFC0  }
0x4e: {  	[tilespmem:s8], [sflag:$0x3] =	stream.linear.gather [hbm4b:s15+s2], $0x10000, $0x38;
	[tilespmem:$0x10100] =	vst v63  }
0x4f: {  	_ =	swait.ge [sflag:s4], $0x10000  }
0x50: {  	[sflag:s4] =	ssyncset.done $0x0  }
0x51: {  	[sflag:s4] =	ssyncadd.s32 $0xFFFF0000  }
0x52: {  	[hbm4b:s9+s10] =	stream.indirect.scatter [tilespmem:s8], [sflag:$0x1], $0x400, s2, s10, $0xb8;
	[tilespmem:$0x10100] =	vst v63  }
0x53: {  	_ = 	snop  }
0x54: {  	[hbm4b:s9+s10] =	stream.indirect.scatter [tilespmem:s8], [sflag:$0x2], $0x400, s6, s10, $0xb8;
	[tilespmem:$0x10100] =	vst v63  }
.Ltmp1:
0x55: {  	_ =	swait.ge [sflag:s11], $0x10000;
	(pc) =	sbr.rel @p0 .LBB2_1-.Ltmp1, $4  }
0x56: {  	[sflag:s11] =	ssyncset.done $0x0  }
0x57: {  	[sflag:s11] =	ssyncadd.s32 $0xFFFF0000  }
0x58: {  	_ =	swait.ge [sflag:s12], $0x10000  }
0x59: {  	[sflag:s12] =	ssyncset.done $0x0  }
.LBB2_2:
0x5a: {  	[sflag:s12] =	ssyncadd.s32 $0xFFFF0000  }
0x5b: {  	_ =	sfence.sel $0x180000  }
0x5c: {  	[bflag:$0x0] =	sbarrier.arrive $0xFFFF  }
0x5d: {  	p0 =	sne.s32 s0, $0x0;
	_ =	strace $0x90000047  }
0x5e: {  	s0 =	sadd.s32 @!p0 $0x100000, s1;
	[bflag:$0x2] =	sbarrier.arrive $0xFFFF  }
0x5f: {  	[sflag:s0] =	ssyncadd.tile.s32 @!p0 $0x1;
	_ =	shalt  }
.Lfunc_end2:
_tile_overlayer_lowered:
.L_overlay_start_2:
0x60: {  	(tag) =	ssettag $0x2  }
0x61: {  	s0 =	rddreg [dreg:$0x0];
	s2 =	stileid.u32  }
0x62: {  	s1 =	rddreg [dreg:$0x1];
	p0 =	sne.s32 s2, $0x0  }
0x63: {  	s3 =	rddreg [dreg:$0x2];
	[bflag:$0x3] =	sbarrier.arrive $0xFFFF;
	s2 =	simm.s32 @!p0 $0x1C03  }
0x64: {  	[timem:s3], [sflag:s2] =	dma.local @!p0 [hbm:s0], s1  }
0x65: {  	s0 =	simm.s32 @!p0 $0x3  }
0x66: {  	_ =	swait.ge @!p0 [sflag:s0], s1  }
0x67: {  	s1 =	ssub.s32 @!p0 $0x0, s1;
	[sflag:s0] =	ssyncset.done @!p0 $0x0  }
0x68: {  	[sflag:s0] =	ssyncadd.s32 @!p0 s1  }
0x69: {  	[bflag:$0x3] =	sbarrier.arrive $0xFFFF  }
0x6a: {  	_ =	shalt  }

</sc_bundles>
